<compile_context>
chip_gen: v7x
topology: tpu7x:2x2x1
jax: 0.10.2.dev20260603
libtpu: 0.0.44.dev20260713+nightly
codegen_flags: <defaults>
</compile_context>

<pallas_src>
import functools

import jax
import jax.numpy as jnp
from jax import lax
from jax.experimental import pallas as pl
from jax.experimental.pallas import tpu as pltpu
from jax.experimental.pallas import tpu_sc as plsc

_B = 8
_C = 19
_H = 512
_W = 512
_R = 256
_N = _B * _H * _W
_K = _N * 10 // 100
_NB = 1024
_NW = 32
_PW = _N // 2 // _NW
_ST = _NB + 16
_SUMOFF = 16 * _ST

_BIT0 = (127 - 27) << 5



def _ce_body(inp_ref, tgt_ref, loss_ref):
    x = inp_ref[...]
    t = tgt_ref[...]
    e = jnp.sum(jnp.exp(x), axis=1)
    lse = jnp.log(e)
    tl = x[:, 0]
    for c in range(1, _C):
        tl = jnp.where(t == c, x[:, c], tl)
    loss_ref[...] = lse - tl


def _make_ce(boff):
    return pl.pallas_call(
        _ce_body,
        grid=(_B // 2, _H // _R),
        in_specs=[
            pl.BlockSpec((1, _C, _R, _W), lambda b, r: (b + boff, 0, r, 0)),
            pl.BlockSpec((1, _R, _W), lambda b, r: (b + boff, r, 0)),
        ],
        out_specs=pl.BlockSpec((1, _R, _W), lambda b, r: (b, r, 0)),
        out_shape=jax.ShapeDtypeStruct((_B // 2, _H, _W), jnp.float32),
    )


_ce_a = _make_ce(0)
_ce_b = _make_ce(_B // 2)



def _hist_body(loss_hbm, out_hbm, data_v, hist_v, mrg_v, sem):
    wid = lax.axis_index("s") * 2 + lax.axis_index("c")
    img = wid // 8
    row0 = (wid % 8) * 64
    cp = pltpu.async_copy(loss_hbm.at[img, pl.ds(row0, 64)], data_v, sem)
    zeros16 = jnp.zeros((16,), jnp.float32)

    @plsc.parallel_loop(0, 2 * 16 * _ST // 16, unroll=8)
    def _(i):
        hist_v[pl.ds(i * 16, 16)] = zeros16

    cp.wait()

    ones16 = jnp.ones((16,), jnp.float32)
    lane_c = lax.iota(jnp.int32, 16) * _ST
    lane_s = lane_c + _SUMOFF
    bit0 = jnp.full((16,), _BIT0, jnp.int32)

    @plsc.parallel_loop(0, _PW // 16, unroll=8)
    def _(i):
        x = data_v[i // 32, pl.ds((i % 32) * 16, 16)]
        bits = plsc.bitcast(x, jnp.int32)
        idx = jnp.clip(lax.shift_right_logical(bits, 18) - bit0, 0, _NB - 1)
        plsc.addupdate_scatter(hist_v, [idx + lane_c], ones16)
        plsc.addupdate_scatter(hist_v, [idx + lane_s], x)

    def mbody(j, carry):
        acc_c = zeros16
        acc_s = zeros16
        for l in range(16):
            b = l * _ST + j * 16
            acc_c = acc_c + hist_v[pl.ds(b, 16)]
            acc_s = acc_s + hist_v[pl.ds(_SUMOFF + b, 16)]
        mrg_v[pl.ds(j * 16, 16)] = acc_c
        mrg_v[pl.ds(_NB + j * 16, 16)] = acc_s
        return carry

    lax.fori_loop(0, _NB // 16, mbody, 0)

    pltpu.sync_copy(mrg_v.at[pl.ds(0, _NB)], out_hbm.at[wid, 0])
    pltpu.sync_copy(mrg_v.at[pl.ds(_NB, _NB)], out_hbm.at[wid, 1])


@functools.cache
def _build_hist():
    return pl.kernel(
        _hist_body,
        out_type=jax.ShapeDtypeStruct((_NW, 2, _NB), jnp.float32),
        mesh=plsc.VectorSubcoreMesh(core_axis_name="c", subcore_axis_name="s"),
        compiler_params=pltpu.CompilerParams(needs_layout_passes=False),
        scratch_types=[
            pltpu.VMEM((64, _W), jnp.float32),
            pltpu.VMEM((2 * 16 * _ST,), jnp.float32),
            pltpu.VMEM((2 * _NB,), jnp.float32),
            pltpu.SemaphoreType.DMA,
        ],
    )


def _rev_cumsum_pad(v):
    return jnp.concatenate(
        [jnp.cumsum(v[::-1])[::-1], jnp.zeros((1,), jnp.float32)])


def kernel(inp, target):
    target = target.astype(jnp.int32)
    la = _ce_a(inp, target)
    lb = _ce_b(inp, target)
    h = _build_hist()(la) + _build_hist()(lb)

    kf = jnp.float32(_K)
    cge = _rev_cumsum_pad(jnp.sum(h[:, 0, :], axis=0))
    sge = _rev_cumsum_pad(jnp.sum(h[:, 1, :], axis=0))
    b = jnp.maximum(jnp.sum(cge[:_NB] >= kf).astype(jnp.int32) - 1, 0)
    t = lax.bitcast_convert_type((b + _BIT0) << 18, jnp.float32)
    tn = lax.bitcast_convert_type((b + 1 + _BIT0) << 18, jnp.float32)
    w = tn - t
    c_ab = cge[b + 1]
    s_ab = sge[b + 1]
    n_add = kf - c_ab
    in_b = jnp.maximum(cge[b] - c_ab, 1.0)
    q = n_add / in_b
    total = s_ab + n_add * (t + w * (1.0 - 0.5 * q))
    return total / kf

# --- scband reference (transcript-rebuilt; emitter-appended) ---
"""Pipeline reference for scband-top-kloss-55877524521569 (READ-ONLY COPY).

The authoritative reference and input builder live on the scoring server;
editing this copy changes nothing except your own understanding.
"""

import jax, jax.numpy as jnp
import numpy as np

K_PERCENT = 10
IGNORE_INDEX = -100

def setup_inputs(seed: int = 0) -> dict:
    key = jax.random.key(seed)
    k1, k2 = jax.random.split(key)
    inp = jax.random.normal(k1, (8, 19, 512, 512), dtype=jnp.float32)
    target = jax.random.randint(k2, (8, 512, 512), 0, 19, dtype=jnp.int64)
    return {"inp": inp, "target": target}

def reference(inp, target):
    # CrossEntropyLoss(reduction='none') over class dim (axis=1)
    logp = jax.nn.log_softmax(inp, axis=1)
    gathered = jnp.take_along_axis(logp, target[:, None, :, :], axis=1)[:, 0]
    pixel_losses = -gathered
    # ignore_index handling: ignored pixels contribute 0 loss (none present with this fill)
    pixel_losses = jnp.where(target == IGNORE_INDEX, 0.0, pixel_losses)
    flat = pixel_losses.reshape(-1)
    num_voxels = flat.shape[0]
    k = int(num_voxels * K_PERCENT / 100)
    vals, _ = jax.lax.top_k(flat, k)
    return vals.mean()

if __name__ == "__main__":
    import jax
    _d = setup_inputs()
    print(jax.jit(kernel)(*tuple(_d.values())))

</pallas_src>

<mosaic_0001>
#map = affine_map<(d0, d1) -> (0, 0, 0)>
module attributes {stable_mosaic.version = 14 : i64} {
  func.func @_hist_body(%arg0: i32, %arg1: i32, %arg2: memref<4x512x512xf32, #tpu.memory_space<hbm>>, %arg3: memref<32x2x1024xf32, #tpu.memory_space<hbm>>, %arg4: memref<64x512xf32, #tpu.memory_space<vmem>>, %arg5: memref<33280xf32, #tpu.memory_space<vmem>>, %arg6: memref<2048xf32, #tpu.memory_space<vmem>>, %arg7: memref<!tpu.dma_semaphore, #tpu.memory_space<semaphore_mem>>) attributes {dimension_semantics = [#tpu.dimension_semantics<core_parallel>, #tpu.dimension_semantics<subcore_parallel>], iteration_bounds = array<i64: 2, 16>, scalar_prefetch = 0 : i64, scratch_operands = 4 : i64, tpu.core_type = #tpu.core_type<sc_vector_subcore>, window_params = [{transform_indices = #map}, {transform_indices = #map}]} {
    %mul3A = arith.constant 2 : i32
    %mul3A_0 = arith.muli %arg1, %mul3A : i32
    %add3A = arith.addi %mul3A_0, %arg0 : i32
    %jit3A = arith.constant 8 : i32
    %div3A = arith.divsi %add3A, %jit3A : i32
    %sign3A = arith.constant 0 : i32
    %sign3A_1 = arith.cmpi sgt, %add3A, %sign3A : i32
    %sign3A_2 = arith.extui %sign3A_1 : i1 to i32
    %sign3A_3 = arith.constant 0 : i32
    %sign3A_4 = arith.cmpi slt, %add3A, %sign3A_3 : i32
    %sign3A_5 = arith.extui %sign3A_4 : i1 to i32
    %sign3A_6 = arith.subi %sign3A_2, %sign3A_5 : i32
    %sign3A_7 = arith.constant 0 : i32
    %sign3A_8 = arith.cmpi sgt, %jit3A, %sign3A_7 : i32
    %sign3A_9 = arith.extui %sign3A_8 : i1 to i32
    %sign3A_10 = arith.constant 0 : i32
    %sign3A_11 = arith.cmpi slt, %jit3A, %sign3A_10 : i32
    %sign3A_12 = arith.extui %sign3A_11 : i1 to i32
    %sign3A_13 = arith.subi %sign3A_9, %sign3A_12 : i32
    %ne3A = arith.cmpi ne, %sign3A_6, %sign3A_13 : i32
    %rem3A = arith.remsi %add3A, %jit3A : i32
    %ne3A_14 = arith.constant 0 : i32
    %ne3A_15 = arith.cmpi ne, %rem3A, %ne3A_14 : i32
    %and3A = arith.andi %ne3A, %ne3A_15 : i1
    %sub3A = arith.constant 1 : i32
    %sub3A_16 = arith.subi %div3A, %sub3A : i32
    %select_n3A = arith.select %and3A, %sub3A_16, %div3A : i32
    %jit3A_17 = arith.constant 8 : i32
    %eq3A = arith.constant 0 : i32
    %eq3A_18 = arith.cmpi eq, %jit3A_17, %eq3A : i32
    %jit3A_19 = arith.constant 1 : i32
    %select_n3A_20 = arith.select %eq3A_18, %jit3A_19, %jit3A_17 : i32
    %rem3A_21 = arith.remsi %add3A, %select_n3A_20 : i32
    %ne3A_22 = arith.constant 0 : i32
    %ne3A_23 = arith.cmpi ne, %rem3A_21, %ne3A_22 : i32
    %lt3A = arith.constant 0 : i32
    %lt3A_24 = arith.cmpi slt, %rem3A_21, %lt3A : i32
    %lt3A_25 = arith.constant 0 : i32
    %lt3A_26 = arith.cmpi slt, %select_n3A_20, %lt3A_25 : i32
    %ne3A_27 = arith.xori %lt3A_24, %lt3A_26 : i1
    %and3A_28 = arith.andi %ne3A_27, %ne3A_23 : i1
    %add3A_29 = arith.addi %rem3A_21, %select_n3A_20 : i32
    %select_n3A_30 = arith.select %and3A_28, %add3A_29, %rem3A_21 : i32
    %mul3A_31 = arith.constant 64 : i32
    %mul3A_32 = arith.muli %select_n3A_30, %mul3A_31 : i32
    %dma_start3A = arith.constant 0 : i32
    %dma_start3A_33 = tpu.memref_slice %arg2[%select_n3A, %mul3A_32, %dma_start3A] : memref<4x512x512xf32, #tpu.memory_space<hbm>> -> memref<1x64x512xf32, #tpu.memory_space<hbm>>
    %dma_start3A_34 = tpu.memref_squeeze %dma_start3A_33 : memref<1x64x512xf32, #tpu.memory_space<hbm>> -> memref<64x512xf32, #tpu.memory_space<hbm>>
    %dma_start3A_35 = arith.constant 0 : i32
    %dma_start3A_36 = tpu.memref_slice %arg2[%select_n3A, %mul3A_32, %dma_start3A_35] : memref<4x512x512xf32, #tpu.memory_space<hbm>> -> memref<1x64x512xf32, #tpu.memory_space<hbm>>
    %dma_start3A_37 = tpu.memref_squeeze %dma_start3A_36 : memref<1x64x512xf32, #tpu.memory_space<hbm>> -> memref<64x512xf32, #tpu.memory_space<hbm>>
    tpu.enqueue_dma source(%dma_start3A_37 : memref<64x512xf32, #tpu.memory_space<hbm>>) target(%arg4 : memref<64x512xf32, #tpu.memory_space<vmem>>) target_semaphore(%arg7 : memref<!tpu.dma_semaphore, #tpu.memory_space<semaphore_mem>>)
    %broadcast_in_dim3A = arith.constant 0.000000e+00 : f32
    %broadcast_in_dim3A_38 = vector.broadcast %broadcast_in_dim3A : f32 to vector<16xf32>
    %parallel_loop3A = arith.constant 0 : i32
    %parallel_loop3A_39 = arith.constant 2080 : i32
    %parallel_loop3A_40 = arith.constant 1 : i32
    scf.for %parallel_loop3A_65 = %parallel_loop3A to %parallel_loop3A_39 step %parallel_loop3A_40  : i32 {
      %parallel_loop3A_66 = arith.constant 16 : i32
      %parallel_loop3A_67 = arith.muli %parallel_loop3A_65, %parallel_loop3A_66 : i32
      %parallel_loop3A_68 = arith.index_cast %parallel_loop3A_67 : i32 to index
      %parallel_loop3A_69 = tpu.vector_load %arg5[%parallel_loop3A_68] {strides = array<i32>} : memref<33280xf32, #tpu.memory_space<vmem>>, vector<16xf32>,
      tpu.vector_store %arg5[%parallel_loop3A_68], %broadcast_in_dim3A_38 {strides = array<i32>} : memref<33280xf32, #tpu.memory_space<vmem>>, vector<16xf32>,
    } {sc.loop_unroll_factor = 8 : i64, sc.parallel_access}
    %dma_wait3A = arith.constant 0 : i32
    %dma_wait3A_41 = tpu.memref_slice %arg2[%select_n3A, %mul3A_32, %dma_wait3A] : memref<4x512x512xf32, #tpu.memory_space<hbm>> -> memref<1x64x512xf32, #tpu.memory_space<hbm>>
    %dma_wait3A_42 = tpu.memref_squeeze %dma_wait3A_41 : memref<1x64x512xf32, #tpu.memory_space<hbm>> -> memref<64x512xf32, #tpu.memory_space<hbm>>
    %dma_wait3A_43 = arith.constant 0 : i32
    %dma_wait3A_44 = tpu.memref_slice %arg2[%select_n3A, %mul3A_32, %dma_wait3A_43] : memref<4x512x512xf32, #tpu.memory_space<hbm>> -> memref<1x64x512xf32, #tpu.memory_space<hbm>>
    %dma_wait3A_45 = tpu.memref_squeeze %dma_wait3A_44 : memref<1x64x512xf32, #tpu.memory_space<hbm>> -> memref<64x512xf32, #tpu.memory_space<hbm>>
    tpu.wait_dma2 semaphore(%arg7 : memref<!tpu.dma_semaphore, #tpu.memory_space<semaphore_mem>>) src(%dma_wait3A_45 : memref<64x512xf32, #tpu.memory_space<hbm>>) dst(%arg4 : memref<64x512xf32, #tpu.memory_space<vmem>>)
    %broadcast_in_dim3A_46 = arith.constant 1.000000e+00 : f32
    %broadcast_in_dim3A_47 = vector.broadcast %broadcast_in_dim3A_46 : f32 to vector<16xf32>
    %iota3A = tpu.iota {dimensions = array<i32: 0>} : vector<16xi32>
    %mul3A_48 = arith.constant 1040 : i32
    %mul3A_49 = vector.broadcast %mul3A_48 : i32 to vector<16xi32>
    %mul3A_50 = arith.muli %iota3A, %mul3A_49 : vector<16xi32>
    %add3A_51 = arith.constant 16640 : i32
    %add3A_52 = vector.broadcast %add3A_51 : i32 to vector<16xi32>
    %add3A_53 = arith.addi %mul3A_50, %add3A_52 : vector<16xi32>
    %broadcast_in_dim3A_54 = arith.constant 3200 : i32
    %broadcast_in_dim3A_55 = vector.broadcast %broadcast_in_dim3A_54 : i32 to vector<16xi32>
    %parallel_loop3A_56 = arith.constant 0 : i32
    %parallel_loop3A_57 = arith.constant 2048 : i32
    %parallel_loop3A_58 = arith.constant 1 : i32
    scf.for %parallel_loop3A_65 = %parallel_loop3A_56 to %parallel_loop3A_57 step %parallel_loop3A_58  : i32 {
      %parallel_loop3A_66 = arith.constant 32 : i32
      %parallel_loop3A_67 = arith.divsi %parallel_loop3A_65, %parallel_loop3A_66 : i32
      %parallel_loop3A_68 = arith.constant 0 : i32
      %parallel_loop3A_69 = arith.cmpi sgt, %parallel_loop3A_65, %parallel_loop3A_68 : i32
      %parallel_loop3A_70 = arith.extui %parallel_loop3A_69 : i1 to i32
      %parallel_loop3A_71 = arith.constant 0 : i32
      %parallel_loop3A_72 = arith.cmpi slt, %parallel_loop3A_65, %parallel_loop3A_71 : i32
      %parallel_loop3A_73 = arith.extui %parallel_loop3A_72 : i1 to i32
      %parallel_loop3A_74 = arith.subi %parallel_loop3A_70, %parallel_loop3A_73 : i32
      %parallel_loop3A_75 = arith.constant 0 : i32
      %parallel_loop3A_76 = arith.cmpi sgt, %parallel_loop3A_66, %parallel_loop3A_75 : i32
      %parallel_loop3A_77 = arith.extui %parallel_loop3A_76 : i1 to i32
      %parallel_loop3A_78 = arith.constant 0 : i32
      %parallel_loop3A_79 = arith.cmpi slt, %parallel_loop3A_66, %parallel_loop3A_78 : i32
      %parallel_loop3A_80 = arith.extui %parallel_loop3A_79 : i1 to i32
      %parallel_loop3A_81 = arith.subi %parallel_loop3A_77, %parallel_loop3A_80 : i32
      %parallel_loop3A_82 = arith.cmpi ne, %parallel_loop3A_74, %parallel_loop3A_81 : i32
      %parallel_loop3A_83 = arith.remsi %parallel_loop3A_65, %parallel_loop3A_66 : i32
      %parallel_loop3A_84 = arith.constant 0 : i32
      %parallel_loop3A_85 = arith.cmpi ne, %parallel_loop3A_83, %parallel_loop3A_84 : i32
      %parallel_loop3A_86 = arith.andi %parallel_loop3A_82, %parallel_loop3A_85 : i1
      %parallel_loop3A_87 = arith.constant 1 : i32
      %parallel_loop3A_88 = arith.subi %parallel_loop3A_67, %parallel_loop3A_87 : i32
      %parallel_loop3A_89 = arith.select %parallel_loop3A_86, %parallel_loop3A_88, %parallel_loop3A_67 : i32
      %parallel_loop3A_90 = arith.constant 32 : i32
      %parallel_loop3A_91 = arith.constant 0 : i32
      %parallel_loop3A_92 = arith.cmpi eq, %parallel_loop3A_90, %parallel_loop3A_91 : i32
      %parallel_loop3A_93 = arith.constant 1 : i32
      %parallel_loop3A_94 = arith.select %parallel_loop3A_92, %parallel_loop3A_93, %parallel_loop3A_90 : i32
      %parallel_loop3A_95 = arith.remsi %parallel_loop3A_65, %parallel_loop3A_94 : i32
      %parallel_loop3A_96 = arith.constant 0 : i32
      %parallel_loop3A_97 = arith.cmpi ne, %parallel_loop3A_95, %parallel_loop3A_96 : i32
      %parallel_loop3A_98 = arith.constant 0 : i32
      %parallel_loop3A_99 = arith.cmpi slt, %parallel_loop3A_95, %parallel_loop3A_98 : i32
      %parallel_loop3A_100 = arith.constant 0 : i32
      %parallel_loop3A_101 = arith.cmpi slt, %parallel_loop3A_94, %parallel_loop3A_100 : i32
      %parallel_loop3A_102 = arith.xori %parallel_loop3A_99, %parallel_loop3A_101 : i1
      %parallel_loop3A_103 = arith.andi %parallel_loop3A_102, %parallel_loop3A_97 : i1
      %parallel_loop3A_104 = arith.addi %parallel_loop3A_95, %parallel_loop3A_94 : i32
      %parallel_loop3A_105 = arith.select %parallel_loop3A_103, %parallel_loop3A_104, %parallel_loop3A_95 : i32
      %parallel_loop3A_106 = arith.constant 16 : i32
      %parallel_loop3A_107 = arith.muli %parallel_loop3A_105, %parallel_loop3A_106 : i32
      %parallel_loop3A_108 = arith.index_cast %parallel_loop3A_89 : i32 to index
      %parallel_loop3A_109 = arith.index_cast %parallel_loop3A_107 : i32 to index
      %parallel_loop3A_110 = tpu.vector_load %arg4[%parallel_loop3A_108, %parallel_loop3A_109] {strides = array<i32>} : memref<64x512xf32, #tpu.memory_space<vmem>>, vector<16xf32>,
      %parallel_loop3A_111 = vector.bitcast %parallel_loop3A_110 : vector<16xf32> to vector<16xi32>
      %parallel_loop3A_112 = arith.constant 18 : i32
      %parallel_loop3A_113 = vector.broadcast %parallel_loop3A_112 : i32 to vector<16xi32>
      %parallel_loop3A_114 = arith.shrui %parallel_loop3A_111, %parallel_loop3A_113 : vector<16xi32>
      %parallel_loop3A_115 = arith.subi %parallel_loop3A_114, %broadcast_in_dim3A_55 : vector<16xi32>
      %parallel_loop3A_116 = arith.constant 0 : i32
      %parallel_loop3A_117 = arith.constant 1023 : i32
      %parallel_loop3A_118 = vector.broadcast %parallel_loop3A_116 : i32 to vector<16xi32>
      %parallel_loop3A_119 = arith.maxsi %parallel_loop3A_118, %parallel_loop3A_115 : vector<16xi32>
      %parallel_loop3A_120 = vector.broadcast %parallel_loop3A_117 : i32 to vector<16xi32>
      %parallel_loop3A_121 = arith.minsi %parallel_loop3A_120, %parallel_loop3A_119 : vector<16xi32>
      %parallel_loop3A_122 = arith.addi %parallel_loop3A_121, %mul3A_50 : vector<16xi32>
      tpu.vector_store_idx %arg5[%parallel_loop3A_122], %broadcast_in_dim3A_47 {add = true} : memref<33280xf32, #tpu.memory_space<vmem>>[vector<16xi32>], vector<16xf32>,
      %parallel_loop3A_123 = arith.addi %parallel_loop3A_121, %add3A_53 : vector<16xi32>
      tpu.vector_store_idx %arg5[%parallel_loop3A_123], %parallel_loop3A_110 {add = true} : memref<33280xf32, #tpu.memory_space<vmem>>[vector<16xi32>], vector<16xf32>,
    } {sc.loop_unroll_factor = 8 : i64, sc.parallel_access}
    %scan3A = arith.constant 0 : i32
    %scan3A_59 = arith.constant 0 : i32
    %scan3A_60 = arith.constant 64 : i32
    %scan3A_61 = arith.addi %scan3A_59, %scan3A_60 : i32
    %scan3A_62 = arith.constant 1 : i32
    scf.for %scan3A_65 = %scan3A_59 to %scan3A_61 step %scan3A_62  : i32 {
      %mul3A_66 = arith.constant 16 : i32
      %mul3A_67 = arith.muli %scan3A_65, %mul3A_66 : i32
      %add3A_68 = arith.constant 0 : i32
      %add3A_69 = arith.addi %add3A_68, %mul3A_67 : i32
      %get3A = arith.index_cast %add3A_69 : i32 to index
      %get3A_70 = tpu.vector_load %arg5[%get3A] {strides = array<i32>} : memref<33280xf32, #tpu.memory_space<vmem>>, vector<16xf32>,
      %add3A_71 = arith.addf %broadcast_in_dim3A_38, %get3A_70 : vector<16xf32>
      %add3A_72 = arith.constant 16640 : i32
      %add3A_73 = arith.addi %add3A_72, %add3A_69 : i32
      %get3A_74 = arith.index_cast %add3A_73 : i32 to index
      %get3A_75 = tpu.vector_load %arg5[%get3A_74] {strides = array<i32>} : memref<33280xf32, #tpu.memory_space<vmem>>, vector<16xf32>,
      %add3A_76 = arith.addf %broadcast_in_dim3A_38, %get3A_75 : vector<16xf32>
      %mul3A_77 = arith.constant 16 : i32
      %mul3A_78 = arith.muli %scan3A_65, %mul3A_77 : i32
      %add3A_79 = arith.constant 1040 : i32
      %add3A_80 = arith.addi %add3A_79, %mul3A_78 : i32
      %get3A_81 = arith.index_cast %add3A_80 : i32 to index
      %get3A_82 = tpu.vector_load %arg5[%get3A_81] {strides = array<i32>} : memref<33280xf32, #tpu.memory_space<vmem>>, vector<16xf32>,
      %add3A_83 = arith.addf %add3A_71, %get3A_82 : vector<16xf32>
      %add3A_84 = arith.constant 16640 : i32
      %add3A_85 = arith.addi %add3A_84, %add3A_80 : i32
      %get3A_86 = arith.index_cast %add3A_85 : i32 to index
      %get3A_87 = tpu.vector_load %arg5[%get3A_86] {strides = array<i32>} : memref<33280xf32, #tpu.memory_space<vmem>>, vector<16xf32>,
      %add3A_88 = arith.addf %add3A_76, %get3A_87 : vector<16xf32>
      %mul3A_89 = arith.constant 16 : i32
      %mul3A_90 = arith.muli %scan3A_65, %mul3A_89 : i32
      %add3A_91 = arith.constant 2080 : i32
      %add3A_92 = arith.addi %add3A_91, %mul3A_90 : i32
      %get3A_93 = arith.index_cast %add3A_92 : i32 to index
      %get3A_94 = tpu.vector_load %arg5[%get3A_93] {strides = array<i32>} : memref<33280xf32, #tpu.memory_space<vmem>>, vector<16xf32>,
      %add3A_95 = arith.addf %add3A_83, %get3A_94 : vector<16xf32>
      %add3A_96 = arith.constant 16640 : i32
      %add3A_97 = arith.addi %add3A_96, %add3A_92 : i32
      %get3A_98 = arith.index_cast %add3A_97 : i32 to index
      %get3A_99 = tpu.vector_load %arg5[%get3A_98] {strides = array<i32>} : memref<33280xf32, #tpu.memory_space<vmem>>, vector<16xf32>,
      %add3A_100 = arith.addf %add3A_88, %get3A_99 : vector<16xf32>
      %mul3A_101 = arith.constant 16 : i32
      %mul3A_102 = arith.muli %scan3A_65, %mul3A_101 : i32
      %add3A_103 = arith.constant 3120 : i32
      %add3A_104 = arith.addi %add3A_103, %mul3A_102 : i32
      %get3A_105 = arith.index_cast %add3A_104 : i32 to index
      %get3A_106 = tpu.vector_load %arg5[%get3A_105] {strides = array<i32>} : memref<33280xf32, #tpu.memory_space<vmem>>, vector<16xf32>,
      %add3A_107 = arith.addf %add3A_95, %get3A_106 : vector<16xf32>
      %add3A_108 = arith.constant 16640 : i32
      %add3A_109 = arith.addi %add3A_108, %add3A_104 : i32
      %get3A_110 = arith.index_cast %add3A_109 : i32 to index
      %get3A_111 = tpu.vector_load %arg5[%get3A_110] {strides = array<i32>} : memref<33280xf32, #tpu.memory_space<vmem>>, vector<16xf32>,
      %add3A_112 = arith.addf %add3A_100, %get3A_111 : vector<16xf32>
      %mul3A_113 = arith.constant 16 : i32
      %mul3A_114 = arith.muli %scan3A_65, %mul3A_113 : i32
      %add3A_115 = arith.constant 4160 : i32
      %add3A_116 = arith.addi %add3A_115, %mul3A_114 : i32
      %get3A_117 = arith.index_cast %add3A_116 : i32 to index
      %get3A_118 = tpu.vector_load %arg5[%get3A_117] {strides = array<i32>} : memref<33280xf32, #tpu.memory_space<vmem>>, vector<16xf32>,
      %add3A_119 = arith.addf %add3A_107, %get3A_118 : vector<16xf32>
      %add3A_120 = arith.constant 16640 : i32
      %add3A_121 = arith.addi %add3A_120, %add3A_116 : i32
      %get3A_122 = arith.index_cast %add3A_121 : i32 to index
      %get3A_123 = tpu.vector_load %arg5[%get3A_122] {strides = array<i32>} : memref<33280xf32, #tpu.memory_space<vmem>>, vector<16xf32>,
      %add3A_124 = arith.addf %add3A_112, %get3A_123 : vector<16xf32>
      %mul3A_125 = arith.constant 16 : i32
      %mul3A_126 = arith.muli %scan3A_65, %mul3A_125 : i32
      %add3A_127 = arith.constant 5200 : i32
      %add3A_128 = arith.addi %add3A_127, %mul3A_126 : i32
      %get3A_129 = arith.index_cast %add3A_128 : i32 to index
      %get3A_130 = tpu.vector_load %arg5[%get3A_129] {strides = array<i32>} : memref<33280xf32, #tpu.memory_space<vmem>>, vector<16xf32>,
      %add3A_131 = arith.addf %add3A_119, %get3A_130 : vector<16xf32>
      %add3A_132 = arith.constant 16640 : i32
      %add3A_133 = arith.addi %add3A_132, %add3A_128 : i32
      %get3A_134 = arith.index_cast %add3A_133 : i32 to index
      %get3A_135 = tpu.vector_load %arg5[%get3A_134] {strides = array<i32>} : memref<33280xf32, #tpu.memory_space<vmem>>, vector<16xf32>,
      %add3A_136 = arith.addf %add3A_124, %get3A_135 : vector<16xf32>
      %mul3A_137 = arith.constant 16 : i32
      %mul3A_138 = arith.muli %scan3A_65, %mul3A_137 : i32
      %add3A_139 = arith.constant 6240 : i32
      %add3A_140 = arith.addi %add3A_139, %mul3A_138 : i32
      %get3A_141 = arith.index_cast %add3A_140 : i32 to index
      %get3A_142 = tpu.vector_load %arg5[%get3A_141] {strides = array<i32>} : memref<33280xf32, #tpu.memory_space<vmem>>, vector<16xf32>,
      %add3A_143 = arith.addf %add3A_131, %get3A_142 : vector<16xf32>
      %add3A_144 = arith.constant 16640 : i32
      %add3A_145 = arith.addi %add3A_144, %add3A_140 : i32
      %get3A_146 = arith.index_cast %add3A_145 : i32 to index
      %get3A_147 = tpu.vector_load %arg5[%get3A_146] {strides = array<i32>} : memref<33280xf32, #tpu.memory_space<vmem>>, vector<16xf32>,
      %add3A_148 = arith.addf %add3A_136, %get3A_147 : vector<16xf32>
      %mul3A_149 = arith.constant 16 : i32
      %mul3A_150 = arith.muli %scan3A_65, %mul3A_149 : i32
      %add3A_151 = arith.constant 7280 : i32
      %add3A_152 = arith.addi %add3A_151, %mul3A_150 : i32
      %get3A_153 = arith.index_cast %add3A_152 : i32 to index
      %get3A_154 = tpu.vector_load %arg5[%get3A_153] {strides = array<i32>} : memref<33280xf32, #tpu.memory_space<vmem>>, vector<16xf32>,
      %add3A_155 = arith.addf %add3A_143, %get3A_154 : vector<16xf32>
      %add3A_156 = arith.constant 16640 : i32
      %add3A_157 = arith.addi %add3A_156, %add3A_152 : i32
      %get3A_158 = arith.index_cast %add3A_157 : i32 to index
      %get3A_159 = tpu.vector_load %arg5[%get3A_158] {strides = array<i32>} : memref<33280xf32, #tpu.memory_space<vmem>>, vector<16xf32>,
      %add3A_160 = arith.addf %add3A_148, %get3A_159 : vector<16xf32>
      %mul3A_161 = arith.constant 16 : i32
      %mul3A_162 = arith.muli %scan3A_65, %mul3A_161 : i32
      %add3A_163 = arith.constant 8320 : i32
      %add3A_164 = arith.addi %add3A_163, %mul3A_162 : i32
      %get3A_165 = arith.index_cast %add3A_164 : i32 to index
      %get3A_166 = tpu.vector_load %arg5[%get3A_165] {strides = array<i32>} : memref<33280xf32, #tpu.memory_space<vmem>>, vector<16xf32>,
      %add3A_167 = arith.addf %add3A_155, %get3A_166 : vector<16xf32>
      %add3A_168 = arith.constant 16640 : i32
      %add3A_169 = arith.addi %add3A_168, %add3A_164 : i32
      %get3A_170 = arith.index_cast %add3A_169 : i32 to index
      %get3A_171 = tpu.vector_load %arg5[%get3A_170] {strides = array<i32>} : memref<33280xf32, #tpu.memory_space<vmem>>, vector<16xf32>,
      %add3A_172 = arith.addf %add3A_160, %get3A_171 : vector<16xf32>
      %mul3A_173 = arith.constant 16 : i32
      %mul3A_174 = arith.muli %scan3A_65, %mul3A_173 : i32
      %add3A_175 = arith.constant 9360 : i32
      %add3A_176 = arith.addi %add3A_175, %mul3A_174 : i32
      %get3A_177 = arith.index_cast %add3A_176 : i32 to index
      %get3A_178 = tpu.vector_load %arg5[%get3A_177] {strides = array<i32>} : memref<33280xf32, #tpu.memory_space<vmem>>, vector<16xf32>,
      %add3A_179 = arith.addf %add3A_167, %get3A_178 : vector<16xf32>
      %add3A_180 = arith.constant 16640 : i32
      %add3A_181 = arith.addi %add3A_180, %add3A_176 : i32
      %get3A_182 = arith.index_cast %add3A_181 : i32 to index
      %get3A_183 = tpu.vector_load %arg5[%get3A_182] {strides = array<i32>} : memref<33280xf32, #tpu.memory_space<vmem>>, vector<16xf32>,
      %add3A_184 = arith.addf %add3A_172, %get3A_183 : vector<16xf32>
      %mul3A_185 = arith.constant 16 : i32
      %mul3A_186 = arith.muli %scan3A_65, %mul3A_185 : i32
      %add3A_187 = arith.constant 10400 : i32
      %add3A_188 = arith.addi %add3A_187, %mul3A_186 : i32
      %get3A_189 = arith.index_cast %add3A_188 : i32 to index
      %get3A_190 = tpu.vector_load %arg5[%get3A_189] {strides = array<i32>} : memref<33280xf32, #tpu.memory_space<vmem>>, vector<16xf32>,
      %add3A_191 = arith.addf %add3A_179, %get3A_190 : vector<16xf32>
      %add3A_192 = arith.constant 16640 : i32
      %add3A_193 = arith.addi %add3A_192, %add3A_188 : i32
      %get3A_194 = arith.index_cast %add3A_193 : i32 to index
      %get3A_195 = tpu.vector_load %arg5[%get3A_194] {strides = array<i32>} : memref<33280xf32, #tpu.memory_space<vmem>>, vector<16xf32>,
      %add3A_196 = arith.addf %add3A_184, %get3A_195 : vector<16xf32>
      %mul3A_197 = arith.constant 16 : i32
      %mul3A_198 = arith.muli %scan3A_65, %mul3A_197 : i32
      %add3A_199 = arith.constant 11440 : i32
      %add3A_200 = arith.addi %add3A_199, %mul3A_198 : i32
      %get3A_201 = arith.index_cast %add3A_200 : i32 to index
      %get3A_202 = tpu.vector_load %arg5[%get3A_201] {strides = array<i32>} : memref<33280xf32, #tpu.memory_space<vmem>>, vector<16xf32>,
      %add3A_203 = arith.addf %add3A_191, %get3A_202 : vector<16xf32>
      %add3A_204 = arith.constant 16640 : i32
      %add3A_205 = arith.addi %add3A_204, %add3A_200 : i32
      %get3A_206 = arith.index_cast %add3A_205 : i32 to index
      %get3A_207 = tpu.vector_load %arg5[%get3A_206] {strides = array<i32>} : memref<33280xf32, #tpu.memory_space<vmem>>, vector<16xf32>,
      %add3A_208 = arith.addf %add3A_196, %get3A_207 : vector<16xf32>
      %mul3A_209 = arith.constant 16 : i32
      %mul3A_210 = arith.muli %scan3A_65, %mul3A_209 : i32
      %add3A_211 = arith.constant 12480 : i32
      %add3A_212 = arith.addi %add3A_211, %mul3A_210 : i32
      %get3A_213 = arith.index_cast %add3A_212 : i32 to index
      %get3A_214 = tpu.vector_load %arg5[%get3A_213] {strides = array<i32>} : memref<33280xf32, #tpu.memory_space<vmem>>, vector<16xf32>,
      %add3A_215 = arith.addf %add3A_203, %get3A_214 : vector<16xf32>
      %add3A_216 = arith.constant 16640 : i32
      %add3A_217 = arith.addi %add3A_216, %add3A_212 : i32
      %get3A_218 = arith.index_cast %add3A_217 : i32 to index
      %get3A_219 = tpu.vector_load %arg5[%get3A_218] {strides = array<i32>} : memref<33280xf32, #tpu.memory_space<vmem>>, vector<16xf32>,
      %add3A_220 = arith.addf %add3A_208, %get3A_219 : vector<16xf32>
      %mul3A_221 = arith.constant 16 : i32
      %mul3A_222 = arith.muli %scan3A_65, %mul3A_221 : i32
      %add3A_223 = arith.constant 13520 : i32
      %add3A_224 = arith.addi %add3A_223, %mul3A_222 : i32
      %get3A_225 = arith.index_cast %add3A_224 : i32 to index
      %get3A_226 = tpu.vector_load %arg5[%get3A_225] {strides = array<i32>} : memref<33280xf32, #tpu.memory_space<vmem>>, vector<16xf32>,
      %add3A_227 = arith.addf %add3A_215, %get3A_226 : vector<16xf32>
      %add3A_228 = arith.constant 16640 : i32
      %add3A_229 = arith.addi %add3A_228, %add3A_224 : i32
      %get3A_230 = arith.index_cast %add3A_229 : i32 to index
      %get3A_231 = tpu.vector_load %arg5[%get3A_230] {strides = array<i32>} : memref<33280xf32, #tpu.memory_space<vmem>>, vector<16xf32>,
      %add3A_232 = arith.addf %add3A_220, %get3A_231 : vector<16xf32>
      %mul3A_233 = arith.constant 16 : i32
      %mul3A_234 = arith.muli %scan3A_65, %mul3A_233 : i32
      %add3A_235 = arith.constant 14560 : i32
      %add3A_236 = arith.addi %add3A_235, %mul3A_234 : i32
      %get3A_237 = arith.index_cast %add3A_236 : i32 to index
      %get3A_238 = tpu.vector_load %arg5[%get3A_237] {strides = array<i32>} : memref<33280xf32, #tpu.memory_space<vmem>>, vector<16xf32>,
      %add3A_239 = arith.addf %add3A_227, %get3A_238 : vector<16xf32>
      %add3A_240 = arith.constant 16640 : i32
      %add3A_241 = arith.addi %add3A_240, %add3A_236 : i32
      %get3A_242 = arith.index_cast %add3A_241 : i32 to index
      %get3A_243 = tpu.vector_load %arg5[%get3A_242] {strides = array<i32>} : memref<33280xf32, #tpu.memory_space<vmem>>, vector<16xf32>,
      %add3A_244 = arith.addf %add3A_232, %get3A_243 : vector<16xf32>
      %mul3A_245 = arith.constant 16 : i32
      %mul3A_246 = arith.muli %scan3A_65, %mul3A_245 : i32
      %add3A_247 = arith.constant 15600 : i32
      %add3A_248 = arith.addi %add3A_247, %mul3A_246 : i32
      %get3A_249 = arith.index_cast %add3A_248 : i32 to index
      %get3A_250 = tpu.vector_load %arg5[%get3A_249] {strides = array<i32>} : memref<33280xf32, #tpu.memory_space<vmem>>, vector<16xf32>,
      %add3A_251 = arith.addf %add3A_239, %get3A_250 : vector<16xf32>
      %add3A_252 = arith.constant 16640 : i32
      %add3A_253 = arith.addi %add3A_252, %add3A_248 : i32
      %get3A_254 = arith.index_cast %add3A_253 : i32 to index
      %get3A_255 = tpu.vector_load %arg5[%get3A_254] {strides = array<i32>} : memref<33280xf32, #tpu.memory_space<vmem>>, vector<16xf32>,
      %add3A_256 = arith.addf %add3A_244, %get3A_255 : vector<16xf32>
      %mul3A_257 = arith.constant 16 : i32
      %mul3A_258 = arith.muli %scan3A_65, %mul3A_257 : i32
      %swap3A = arith.index_cast %mul3A_258 : i32 to index
      %swap3A_259 = tpu.vector_load %arg6[%swap3A] {strides = array<i32>} : memref<2048xf32, #tpu.memory_space<vmem>>, vector<16xf32>,
      tpu.vector_store %arg6[%swap3A], %add3A_251 {strides = array<i32>} : memref<2048xf32, #tpu.memory_space<vmem>>, vector<16xf32>,
      %mul3A_260 = arith.constant 16 : i32
      %mul3A_261 = arith.muli %scan3A_65, %mul3A_260 : i32
      %add3A_262 = arith.constant 1024 : i32
      %add3A_263 = arith.addi %add3A_262, %mul3A_261 : i32
      %swap3A_264 = arith.index_cast %add3A_263 : i32 to index
      %swap3A_265 = tpu.vector_load %arg6[%swap3A_264] {strides = array<i32>} : memref<2048xf32, #tpu.memory_space<vmem>>, vector<16xf32>,
      tpu.vector_store %arg6[%swap3A_264], %add3A_256 {strides = array<i32>} : memref<2048xf32, #tpu.memory_space<vmem>>, vector<16xf32>,
    }
    %scan3A_63 = arith.constant 64 : i32
    %run_scoped3A = arith.constant 0 : i32
    "tpu.region"() ({
      %run_scoped3A_65 = tpu.sem_alloc : memref<!tpu.dma_semaphore, #tpu.memory_space<semaphore_mem>>
      %dma_start3A_66 = arith.constant 0 : i32
      %dma_start3A_67 = tpu.memref_slice %arg6[%dma_start3A_66] : memref<2048xf32, #tpu.memory_space<vmem>> -> memref<1024xf32, #tpu.memory_space<vmem>>
      %dma_start3A_68 = arith.constant 0 : i32
      %dma_start3A_69 = tpu.memref_slice %arg3[%add3A, %run_scoped3A, %dma_start3A_68] : memref<32x2x1024xf32, #tpu.memory_space<hbm>> -> memref<1x1x1024xf32, #tpu.memory_space<hbm>>
      %dma_start3A_70 = tpu.memref_squeeze %dma_start3A_69 : memref<1x1x1024xf32, #tpu.memory_space<hbm>> -> memref<1024xf32, #tpu.memory_space<hbm>>
      %dma_start3A_71 = arith.constant 0 : i32
      %dma_start3A_72 = tpu.memref_slice %arg3[%add3A, %run_scoped3A, %dma_start3A_71] : memref<32x2x1024xf32, #tpu.memory_space<hbm>> -> memref<1x1x1024xf32, #tpu.memory_space<hbm>>
      %dma_start3A_73 = tpu.memref_squeeze %dma_start3A_72 : memref<1x1x1024xf32, #tpu.memory_space<hbm>> -> memref<1024xf32, #tpu.memory_space<hbm>>
      %dma_start3A_74 = arith.constant 0 : i32
      %dma_start3A_75 = tpu.memref_slice %arg6[%dma_start3A_74] : memref<2048xf32, #tpu.memory_space<vmem>> -> memref<1024xf32, #tpu.memory_space<vmem>>
      tpu.enqueue_dma source(%dma_start3A_75 : memref<1024xf32, #tpu.memory_space<vmem>>) target(%dma_start3A_73 : memref<1024xf32, #tpu.memory_space<hbm>>) target_semaphore(%run_scoped3A_65 : memref<!tpu.dma_semaphore, #tpu.memory_space<semaphore_mem>>)
      %dma_wait3A_76 = arith.constant 0 : i32
      %dma_wait3A_77 = tpu.memref_slice %arg6[%dma_wait3A_76] : memref<2048xf32, #tpu.memory_space<vmem>> -> memref<1024xf32, #tpu.memory_space<vmem>>
      %dma_wait3A_78 = arith.constant 0 : i32
      %dma_wait3A_79 = tpu.memref_slice %arg3[%add3A, %run_scoped3A, %dma_wait3A_78] : memref<32x2x1024xf32, #tpu.memory_space<hbm>> -> memref<1x1x1024xf32, #tpu.memory_space<hbm>>
      %dma_wait3A_80 = tpu.memref_squeeze %dma_wait3A_79 : memref<1x1x1024xf32, #tpu.memory_space<hbm>> -> memref<1024xf32, #tpu.memory_space<hbm>>
      %dma_wait3A_81 = arith.constant 0 : i32
      %dma_wait3A_82 = tpu.memref_slice %arg3[%add3A, %run_scoped3A, %dma_wait3A_81] : memref<32x2x1024xf32, #tpu.memory_space<hbm>> -> memref<1x1x1024xf32, #tpu.memory_space<hbm>>
      %dma_wait3A_83 = tpu.memref_squeeze %dma_wait3A_82 : memref<1x1x1024xf32, #tpu.memory_space<hbm>> -> memref<1024xf32, #tpu.memory_space<hbm>>
      %dma_wait3A_84 = arith.constant 0 : i32
      %dma_wait3A_85 = tpu.memref_slice %arg6[%dma_wait3A_84] : memref<2048xf32, #tpu.memory_space<vmem>> -> memref<1024xf32, #tpu.memory_space<vmem>>
      tpu.wait_dma2 semaphore(%run_scoped3A_65 : memref<!tpu.dma_semaphore, #tpu.memory_space<semaphore_mem>>) src(%dma_wait3A_85 : memref<1024xf32, #tpu.memory_space<vmem>>) dst(%dma_wait3A_83 : memref<1024xf32, #tpu.memory_space<hbm>>)
      tpu.yield
    }) : () -> ()
    %run_scoped3A_64 = arith.constant 1 : i32
    "tpu.region"() ({
      %run_scoped3A_65 = tpu.sem_alloc : memref<!tpu.dma_semaphore, #tpu.memory_space<semaphore_mem>>
      %dma_start3A_66 = arith.constant 1024 : i32
      %dma_start3A_67 = tpu.memref_slice %arg6[%dma_start3A_66] : memref<2048xf32, #tpu.memory_space<vmem>> -> memref<1024xf32, #tpu.memory_space<vmem>>
      %dma_start3A_68 = arith.constant 0 : i32
      %dma_start3A_69 = tpu.memref_slice %arg3[%add3A, %run_scoped3A_64, %dma_start3A_68] : memref<32x2x1024xf32, #tpu.memory_space<hbm>> -> memref<1x1x1024xf32, #tpu.memory_space<hbm>>
      %dma_start3A_70 = tpu.memref_squeeze %dma_start3A_69 : memref<1x1x1024xf32, #tpu.memory_space<hbm>> -> memref<1024xf32, #tpu.memory_space<hbm>>
      %dma_start3A_71 = arith.constant 0 : i32
      %dma_start3A_72 = tpu.memref_slice %arg3[%add3A, %run_scoped3A_64, %dma_start3A_71] : memref<32x2x1024xf32, #tpu.memory_space<hbm>> -> memref<1x1x1024xf32, #tpu.memory_space<hbm>>
      %dma_start3A_73 = tpu.memref_squeeze %dma_start3A_72 : memref<1x1x1024xf32, #tpu.memory_space<hbm>> -> memref<1024xf32, #tpu.memory_space<hbm>>
      %dma_start3A_74 = arith.constant 1024 : i32
      %dma_start3A_75 = tpu.memref_slice %arg6[%dma_start3A_74] : memref<2048xf32, #tpu.memory_space<vmem>> -> memref<1024xf32, #tpu.memory_space<vmem>>
      tpu.enqueue_dma source(%dma_start3A_75 : memref<1024xf32, #tpu.memory_space<vmem>>) target(%dma_start3A_73 : memref<1024xf32, #tpu.memory_space<hbm>>) target_semaphore(%run_scoped3A_65 : memref<!tpu.dma_semaphore, #tpu.memory_space<semaphore_mem>>)
      %dma_wait3A_76 = arith.constant 1024 : i32
      %dma_wait3A_77 = tpu.memref_slice %arg6[%dma_wait3A_76] : memref<2048xf32, #tpu.memory_space<vmem>> -> memref<1024xf32, #tpu.memory_space<vmem>>
      %dma_wait3A_78 = arith.constant 0 : i32
      %dma_wait3A_79 = tpu.memref_slice %arg3[%add3A, %run_scoped3A_64, %dma_wait3A_78] : memref<32x2x1024xf32, #tpu.memory_space<hbm>> -> memref<1x1x1024xf32, #tpu.memory_space<hbm>>
      %dma_wait3A_80 = tpu.memref_squeeze %dma_wait3A_79 : memref<1x1x1024xf32, #tpu.memory_space<hbm>> -> memref<1024xf32, #tpu.memory_space<hbm>>
      %dma_wait3A_81 = arith.constant 0 : i32
      %dma_wait3A_82 = tpu.memref_slice %arg3[%add3A, %run_scoped3A_64, %dma_wait3A_81] : memref<32x2x1024xf32, #tpu.memory_space<hbm>> -> memref<1x1x1024xf32, #tpu.memory_space<hbm>>
      %dma_wait3A_83 = tpu.memref_squeeze %dma_wait3A_82 : memref<1x1x1024xf32, #tpu.memory_space<hbm>> -> memref<1024xf32, #tpu.memory_space<hbm>>
      %dma_wait3A_84 = arith.constant 1024 : i32
      %dma_wait3A_85 = tpu.memref_slice %arg6[%dma_wait3A_84] : memref<2048xf32, #tpu.memory_space<vmem>> -> memref<1024xf32, #tpu.memory_space<vmem>>
      tpu.wait_dma2 semaphore(%run_scoped3A_65 : memref<!tpu.dma_semaphore, #tpu.memory_space<semaphore_mem>>) src(%dma_wait3A_85 : memref<1024xf32, #tpu.memory_space<vmem>>) dst(%dma_wait3A_83 : memref<1024xf32, #tpu.memory_space<hbm>>)
      tpu.yield
    }) : () -> ()
    return
  }
}

#map = affine_map<(d0, d1) -> (0, 0, 0)>
module attributes {stable_mosaic.version = 14 : i64} {
  func.func @_hist_body(%arg0: i32, %arg1: i32, %arg2: memref<4x512x512xf32, #tpu.memory_space<hbm>>, %arg3: memref<32x2x1024xf32, #tpu.memory_space<hbm>>, %arg4: memref<64x512xf32, #tpu.memory_space<vmem>>, %arg5: memref<33280xf32, #tpu.memory_space<vmem>>, %arg6: memref<2048xf32, #tpu.memory_space<vmem>>, %arg7: memref<!tpu.dma_semaphore, #tpu.memory_space<semaphore_mem>>) attributes {dimension_semantics = [#tpu.dimension_semantics<core_parallel>, #tpu.dimension_semantics<subcore_parallel>], iteration_bounds = array<i64: 2, 16>, scalar_prefetch = 0 : i64, scratch_operands = 4 : i64, tpu.core_type = #tpu.core_type<sc_vector_subcore>, window_params = [{transform_indices = #map}, {transform_indices = #map}]} {
    %mul3A = arith.constant 2 : i32
    %mul3A_0 = arith.muli %arg1, %mul3A : i32
    %add3A = arith.addi %mul3A_0, %arg0 : i32
    %jit3A = arith.constant 8 : i32
    %div3A = arith.divsi %add3A, %jit3A : i32
    %sign3A = arith.constant 0 : i32
    %sign3A_1 = arith.cmpi sgt, %add3A, %sign3A : i32
    %sign3A_2 = arith.extui %sign3A_1 : i1 to i32
    %sign3A_3 = arith.constant 0 : i32
    %sign3A_4 = arith.cmpi slt, %add3A, %sign3A_3 : i32
    %sign3A_5 = arith.extui %sign3A_4 : i1 to i32
    %sign3A_6 = arith.subi %sign3A_2, %sign3A_5 : i32
    %sign3A_7 = arith.constant 0 : i32
    %sign3A_8 = arith.cmpi sgt, %jit3A, %sign3A_7 : i32
    %sign3A_9 = arith.extui %sign3A_8 : i1 to i32
    %sign3A_10 = arith.constant 0 : i32
    %sign3A_11 = arith.cmpi slt, %jit3A, %sign3A_10 : i32
    %sign3A_12 = arith.extui %sign3A_11 : i1 to i32
    %sign3A_13 = arith.subi %sign3A_9, %sign3A_12 : i32
    %ne3A = arith.cmpi ne, %sign3A_6, %sign3A_13 : i32
    %rem3A = arith.remsi %add3A, %jit3A : i32
    %ne3A_14 = arith.constant 0 : i32
    %ne3A_15 = arith.cmpi ne, %rem3A, %ne3A_14 : i32
    %and3A = arith.andi %ne3A, %ne3A_15 : i1
    %sub3A = arith.constant 1 : i32
    %sub3A_16 = arith.subi %div3A, %sub3A : i32
    %select_n3A = arith.select %and3A, %sub3A_16, %div3A : i32
    %jit3A_17 = arith.constant 8 : i32
    %eq3A = arith.constant 0 : i32
    %eq3A_18 = arith.cmpi eq, %jit3A_17, %eq3A : i32
    %jit3A_19 = arith.constant 1 : i32
    %select_n3A_20 = arith.select %eq3A_18, %jit3A_19, %jit3A_17 : i32
    %rem3A_21 = arith.remsi %add3A, %select_n3A_20 : i32
    %ne3A_22 = arith.constant 0 : i32
    %ne3A_23 = arith.cmpi ne, %rem3A_21, %ne3A_22 : i32
    %lt3A = arith.constant 0 : i32
    %lt3A_24 = arith.cmpi slt, %rem3A_21, %lt3A : i32
    %lt3A_25 = arith.constant 0 : i32
    %lt3A_26 = arith.cmpi slt, %select_n3A_20, %lt3A_25 : i32
    %ne3A_27 = arith.xori %lt3A_24, %lt3A_26 : i1
    %and3A_28 = arith.andi %ne3A_27, %ne3A_23 : i1
    %add3A_29 = arith.addi %rem3A_21, %select_n3A_20 : i32
    %select_n3A_30 = arith.select %and3A_28, %add3A_29, %rem3A_21 : i32
    %mul3A_31 = arith.constant 64 : i32
    %mul3A_32 = arith.muli %select_n3A_30, %mul3A_31 : i32
    %dma_start3A = arith.constant 0 : i32
    %dma_start3A_33 = tpu.memref_slice %arg2[%select_n3A, %mul3A_32, %dma_start3A] : memref<4x512x512xf32, #tpu.memory_space<hbm>> -> memref<1x64x512xf32, #tpu.memory_space<hbm>>
    %dma_start3A_34 = tpu.memref_squeeze %dma_start3A_33 : memref<1x64x512xf32, #tpu.memory_space<hbm>> -> memref<64x512xf32, #tpu.memory_space<hbm>>
    %dma_start3A_35 = arith.constant 0 : i32
    %dma_start3A_36 = tpu.memref_slice %arg2[%select_n3A, %mul3A_32, %dma_start3A_35] : memref<4x512x512xf32, #tpu.memory_space<hbm>> -> memref<1x64x512xf32, #tpu.memory_space<hbm>>
    %dma_start3A_37 = tpu.memref_squeeze %dma_start3A_36 : memref<1x64x512xf32, #tpu.memory_space<hbm>> -> memref<64x512xf32, #tpu.memory_space<hbm>>
    tpu.enqueue_dma source(%dma_start3A_37 : memref<64x512xf32, #tpu.memory_space<hbm>>) target(%arg4 : memref<64x512xf32, #tpu.memory_space<vmem>>) target_semaphore(%arg7 : memref<!tpu.dma_semaphore, #tpu.memory_space<semaphore_mem>>)
    %broadcast_in_dim3A = arith.constant 0.000000e+00 : f32
    %broadcast_in_dim3A_38 = vector.broadcast %broadcast_in_dim3A : f32 to vector<16xf32>
    %parallel_loop3A = arith.constant 0 : i32
    %parallel_loop3A_39 = arith.constant 2080 : i32
    %parallel_loop3A_40 = arith.constant 1 : i32
    scf.for %parallel_loop3A_65 = %parallel_loop3A to %parallel_loop3A_39 step %parallel_loop3A_40  : i32 {
      %parallel_loop3A_66 = arith.constant 16 : i32
      %parallel_loop3A_67 = arith.muli %parallel_loop3A_65, %parallel_loop3A_66 : i32
      %parallel_loop3A_68 = arith.index_cast %parallel_loop3A_67 : i32 to index
      %parallel_loop3A_69 = tpu.vector_load %arg5[%parallel_loop3A_68] {strides = array<i32>} : memref<33280xf32, #tpu.memory_space<vmem>>, vector<16xf32>,
      tpu.vector_store %arg5[%parallel_loop3A_68], %broadcast_in_dim3A_38 {strides = array<i32>} : memref<33280xf32, #tpu.memory_space<vmem>>, vector<16xf32>,
    } {sc.loop_unroll_factor = 8 : i64, sc.parallel_access}
    %dma_wait3A = arith.constant 0 : i32
    %dma_wait3A_41 = tpu.memref_slice %arg2[%select_n3A, %mul3A_32, %dma_wait3A] : memref<4x512x512xf32, #tpu.memory_space<hbm>> -> memref<1x64x512xf32, #tpu.memory_space<hbm>>
    %dma_wait3A_42 = tpu.memref_squeeze %dma_wait3A_41 : memref<1x64x512xf32, #tpu.memory_space<hbm>> -> memref<64x512xf32, #tpu.memory_space<hbm>>
    %dma_wait3A_43 = arith.constant 0 : i32
    %dma_wait3A_44 = tpu.memref_slice %arg2[%select_n3A, %mul3A_32, %dma_wait3A_43] : memref<4x512x512xf32, #tpu.memory_space<hbm>> -> memref<1x64x512xf32, #tpu.memory_space<hbm>>
    %dma_wait3A_45 = tpu.memref_squeeze %dma_wait3A_44 : memref<1x64x512xf32, #tpu.memory_space<hbm>> -> memref<64x512xf32, #tpu.memory_space<hbm>>
    tpu.wait_dma2 semaphore(%arg7 : memref<!tpu.dma_semaphore, #tpu.memory_space<semaphore_mem>>) src(%dma_wait3A_45 : memref<64x512xf32, #tpu.memory_space<hbm>>) dst(%arg4 : memref<64x512xf32, #tpu.memory_space<vmem>>)
    %broadcast_in_dim3A_46 = arith.constant 1.000000e+00 : f32
    %broadcast_in_dim3A_47 = vector.broadcast %broadcast_in_dim3A_46 : f32 to vector<16xf32>
    %iota3A = tpu.iota {dimensions = array<i32: 0>} : vector<16xi32>
    %mul3A_48 = arith.constant 1040 : i32
    %mul3A_49 = vector.broadcast %mul3A_48 : i32 to vector<16xi32>
    %mul3A_50 = arith.muli %iota3A, %mul3A_49 : vector<16xi32>
    %add3A_51 = arith.constant 16640 : i32
    %add3A_52 = vector.broadcast %add3A_51 : i32 to vector<16xi32>
    %add3A_53 = arith.addi %mul3A_50, %add3A_52 : vector<16xi32>
    %broadcast_in_dim3A_54 = arith.constant 3200 : i32
    %broadcast_in_dim3A_55 = vector.broadcast %broadcast_in_dim3A_54 : i32 to vector<16xi32>
    %parallel_loop3A_56 = arith.constant 0 : i32
    %parallel_loop3A_57 = arith.constant 2048 : i32
    %parallel_loop3A_58 = arith.constant 1 : i32
    scf.for %parallel_loop3A_65 = %parallel_loop3A_56 to %parallel_loop3A_57 step %parallel_loop3A_58  : i32 {
      %parallel_loop3A_66 = arith.constant 32 : i32
      %parallel_loop3A_67 = arith.divsi %parallel_loop3A_65, %parallel_loop3A_66 : i32
      %parallel_loop3A_68 = arith.constant 0 : i32
      %parallel_loop3A_69 = arith.cmpi sgt, %parallel_loop3A_65, %parallel_loop3A_68 : i32
      %parallel_loop3A_70 = arith.extui %parallel_loop3A_69 : i1 to i32
      %parallel_loop3A_71 = arith.constant 0 : i32
      %parallel_loop3A_72 = arith.cmpi slt, %parallel_loop3A_65, %parallel_loop3A_71 : i32
      %parallel_loop3A_73 = arith.extui %parallel_loop3A_72 : i1 to i32
      %parallel_loop3A_74 = arith.subi %parallel_loop3A_70, %parallel_loop3A_73 : i32
      %parallel_loop3A_75 = arith.constant 0 : i32
      %parallel_loop3A_76 = arith.cmpi sgt, %parallel_loop3A_66, %parallel_loop3A_75 : i32
      %parallel_loop3A_77 = arith.extui %parallel_loop3A_76 : i1 to i32
      %parallel_loop3A_78 = arith.constant 0 : i32
      %parallel_loop3A_79 = arith.cmpi slt, %parallel_loop3A_66, %parallel_loop3A_78 : i32
      %parallel_loop3A_80 = arith.extui %parallel_loop3A_79 : i1 to i32
      %parallel_loop3A_81 = arith.subi %parallel_loop3A_77, %parallel_loop3A_80 : i32
      %parallel_loop3A_82 = arith.cmpi ne, %parallel_loop3A_74, %parallel_loop3A_81 : i32
      %parallel_loop3A_83 = arith.remsi %parallel_loop3A_65, %parallel_loop3A_66 : i32
      %parallel_loop3A_84 = arith.constant 0 : i32
      %parallel_loop3A_85 = arith.cmpi ne, %parallel_loop3A_83, %parallel_loop3A_84 : i32
      %parallel_loop3A_86 = arith.andi %parallel_loop3A_82, %parallel_loop3A_85 : i1
      %parallel_loop3A_87 = arith.constant 1 : i32
      %parallel_loop3A_88 = arith.subi %parallel_loop3A_67, %parallel_loop3A_87 : i32
      %parallel_loop3A_89 = arith.select %parallel_loop3A_86, %parallel_loop3A_88, %parallel_loop3A_67 : i32
      %parallel_loop3A_90 = arith.constant 32 : i32
      %parallel_loop3A_91 = arith.constant 0 : i32
      %parallel_loop3A_92 = arith.cmpi eq, %parallel_loop3A_90, %parallel_loop3A_91 : i32
      %parallel_loop3A_93 = arith.constant 1 : i32
      %parallel_loop3A_94 = arith.select %parallel_loop3A_92, %parallel_loop3A_93, %parallel_loop3A_90 : i32
      %parallel_loop3A_95 = arith.remsi %parallel_loop3A_65, %parallel_loop3A_94 : i32
      %parallel_loop3A_96 = arith.constant 0 : i32
      %parallel_loop3A_97 = arith.cmpi ne, %parallel_loop3A_95, %parallel_loop3A_96 : i32
      %parallel_loop3A_98 = arith.constant 0 : i32
      %parallel_loop3A_99 = arith.cmpi slt, %parallel_loop3A_95, %parallel_loop3A_98 : i32
      %parallel_loop3A_100 = arith.constant 0 : i32
      %parallel_loop3A_101 = arith.cmpi slt, %parallel_loop3A_94, %parallel_loop3A_100 : i32
      %parallel_loop3A_102 = arith.xori %parallel_loop3A_99, %parallel_loop3A_101 : i1
      %parallel_loop3A_103 = arith.andi %parallel_loop3A_102, %parallel_loop3A_97 : i1
      %parallel_loop3A_104 = arith.addi %parallel_loop3A_95, %parallel_loop3A_94 : i32
      %parallel_loop3A_105 = arith.select %parallel_loop3A_103, %parallel_loop3A_104, %parallel_loop3A_95 : i32
      %parallel_loop3A_106 = arith.constant 16 : i32
      %parallel_loop3A_107 = arith.muli %parallel_loop3A_105, %parallel_loop3A_106 : i32
      %parallel_loop3A_108 = arith.index_cast %parallel_loop3A_89 : i32 to index
      %parallel_loop3A_109 = arith.index_cast %parallel_loop3A_107 : i32 to index
      %parallel_loop3A_110 = tpu.vector_load %arg4[%parallel_loop3A_108, %parallel_loop3A_109] {strides = array<i32>} : memref<64x512xf32, #tpu.memory_space<vmem>>, vector<16xf32>,
      %parallel_loop3A_111 = vector.bitcast %parallel_loop3A_110 : vector<16xf32> to vector<16xi32>
      %parallel_loop3A_112 = arith.constant 18 : i32
      %parallel_loop3A_113 = vector.broadcast %parallel_loop3A_112 : i32 to vector<16xi32>
      %parallel_loop3A_114 = arith.shrui %parallel_loop3A_111, %parallel_loop3A_113 : vector<16xi32>
      %parallel_loop3A_115 = arith.subi %parallel_loop3A_114, %broadcast_in_dim3A_55 : vector<16xi32>
      %parallel_loop3A_116 = arith.constant 0 : i32
      %parallel_loop3A_117 = arith.constant 1023 : i32
      %parallel_loop3A_118 = vector.broadcast %parallel_loop3A_116 : i32 to vector<16xi32>
      %parallel_loop3A_119 = arith.maxsi %parallel_loop3A_118, %parallel_loop3A_115 : vector<16xi32>
      %parallel_loop3A_120 = vector.broadcast %parallel_loop3A_117 : i32 to vector<16xi32>
      %parallel_loop3A_121 = arith.minsi %parallel_loop3A_120, %parallel_loop3A_119 : vector<16xi32>
      %parallel_loop3A_122 = arith.addi %parallel_loop3A_121, %mul3A_50 : vector<16xi32>
      tpu.vector_store_idx %arg5[%parallel_loop3A_122], %broadcast_in_dim3A_47 {add = true} : memref<33280xf32, #tpu.memory_space<vmem>>[vector<16xi32>], vector<16xf32>,
      %parallel_loop3A_123 = arith.addi %parallel_loop3A_121, %add3A_53 : vector<16xi32>
      tpu.vector_store_idx %arg5[%parallel_loop3A_123], %parallel_loop3A_110 {add = true} : memref<33280xf32, #tpu.memory_space<vmem>>[vector<16xi32>], vector<16xf32>,
    } {sc.loop_unroll_factor = 8 : i64, sc.parallel_access}
    %scan3A = arith.constant 0 : i32
    %scan3A_59 = arith.constant 0 : i32
    %scan3A_60 = arith.constant 64 : i32
    %scan3A_61 = arith.addi %scan3A_59, %scan3A_60 : i32
    %scan3A_62 = arith.constant 1 : i32
    scf.for %scan3A_65 = %scan3A_59 to %scan3A_61 step %scan3A_62  : i32 {
      %mul3A_66 = arith.constant 16 : i32
      %mul3A_67 = arith.muli %scan3A_65, %mul3A_66 : i32
      %add3A_68 = arith.constant 0 : i32
      %add3A_69 = arith.addi %add3A_68, %mul3A_67 : i32
      %get3A = arith.index_cast %add3A_69 : i32 to index
      %get3A_70 = tpu.vector_load %arg5[%get3A] {strides = array<i32>} : memref<33280xf32, #tpu.memory_space<vmem>>, vector<16xf32>,
      %add3A_71 = arith.addf %broadcast_in_dim3A_38, %get3A_70 : vector<16xf32>
      %add3A_72 = arith.constant 16640 : i32
      %add3A_73 = arith.addi %add3A_72, %add3A_69 : i32
      %get3A_74 = arith.index_cast %add3A_73 : i32 to index
      %get3A_75 = tpu.vector_load %arg5[%get3A_74] {strides = array<i32>} : memref<33280xf32, #tpu.memory_space<vmem>>, vector<16xf32>,
      %add3A_76 = arith.addf %broadcast_in_dim3A_38, %get3A_75 : vector<16xf32>
      %mul3A_77 = arith.constant 16 : i32
      %mul3A_78 = arith.muli %scan3A_65, %mul3A_77 : i32
      %add3A_79 = arith.constant 1040 : i32
      %add3A_80 = arith.addi %add3A_79, %mul3A_78 : i32
      %get3A_81 = arith.index_cast %add3A_80 : i32 to index
      %get3A_82 = tpu.vector_load %arg5[%get3A_81] {strides = array<i32>} : memref<33280xf32, #tpu.memory_space<vmem>>, vector<16xf32>,
      %add3A_83 = arith.addf %add3A_71, %get3A_82 : vector<16xf32>
      %add3A_84 = arith.constant 16640 : i32
      %add3A_85 = arith.addi %add3A_84, %add3A_80 : i32
      %get3A_86 = arith.index_cast %add3A_85 : i32 to index
      %get3A_87 = tpu.vector_load %arg5[%get3A_86] {strides = array<i32>} : memref<33280xf32, #tpu.memory_space<vmem>>, vector<16xf32>,
      %add3A_88 = arith.addf %add3A_76, %get3A_87 : vector<16xf32>
      %mul3A_89 = arith.constant 16 : i32
      %mul3A_90 = arith.muli %scan3A_65, %mul3A_89 : i32
      %add3A_91 = arith.constant 2080 : i32
      %add3A_92 = arith.addi %add3A_91, %mul3A_90 : i32
      %get3A_93 = arith.index_cast %add3A_92 : i32 to index
      %get3A_94 = tpu.vector_load %arg5[%get3A_93] {strides = array<i32>} : memref<33280xf32, #tpu.memory_space<vmem>>, vector<16xf32>,
      %add3A_95 = arith.addf %add3A_83, %get3A_94 : vector<16xf32>
      %add3A_96 = arith.constant 16640 : i32
      %add3A_97 = arith.addi %add3A_96, %add3A_92 : i32
      %get3A_98 = arith.index_cast %add3A_97 : i32 to index
      %get3A_99 = tpu.vector_load %arg5[%get3A_98] {strides = array<i32>} : memref<33280xf32, #tpu.memory_space<vmem>>, vector<16xf32>,
      %add3A_100 = arith.addf %add3A_88, %get3A_99 : vector<16xf32>
      %mul3A_101 = arith.constant 16 : i32
      %mul3A_102 = arith.muli %scan3A_65, %mul3A_101 : i32
      %add3A_103 = arith.constant 3120 : i32
      %add3A_104 = arith.addi %add3A_103, %mul3A_102 : i32
      %get3A_105 = arith.index_cast %add3A_104 : i32 to index
      %get3A_106 = tpu.vector_load %arg5[%get3A_105] {strides = array<i32>} : memref<33280xf32, #tpu.memory_space<vmem>>, vector<16xf32>,
      %add3A_107 = arith.addf %add3A_95, %get3A_106 : vector<16xf32>
      %add3A_108 = arith.constant 16640 : i32
      %add3A_109 = arith.addi %add3A_108, %add3A_104 : i32
      %get3A_110 = arith.index_cast %add3A_109 : i32 to index
      %get3A_111 = tpu.vector_load %arg5[%get3A_110] {strides = array<i32>} : memref<33280xf32, #tpu.memory_space<vmem>>, vector<16xf32>,
      %add3A_112 = arith.addf %add3A_100, %get3A_111 : vector<16xf32>
      %mul3A_113 = arith.constant 16 : i32
      %mul3A_114 = arith.muli %scan3A_65, %mul3A_113 : i32
      %add3A_115 = arith.constant 4160 : i32
      %add3A_116 = arith.addi %add3A_115, %mul3A_114 : i32
      %get3A_117 = arith.index_cast %add3A_116 : i32 to index
      %get3A_118 = tpu.vector_load %arg5[%get3A_117] {strides = array<i32>} : memref<33280xf32, #tpu.memory_space<vmem>>, vector<16xf32>,
      %add3A_119 = arith.addf %add3A_107, %get3A_118 : vector<16xf32>
      %add3A_120 = arith.constant 16640 : i32
      %add3A_121 = arith.addi %add3A_120, %add3A_116 : i32
      %get3A_122 = arith.index_cast %add3A_121 : i32 to index
      %get3A_123 = tpu.vector_load %arg5[%get3A_122] {strides = array<i32>} : memref<33280xf32, #tpu.memory_space<vmem>>, vector<16xf32>,
      %add3A_124 = arith.addf %add3A_112, %get3A_123 : vector<16xf32>
      %mul3A_125 = arith.constant 16 : i32
      %mul3A_126 = arith.muli %scan3A_65, %mul3A_125 : i32
      %add3A_127 = arith.constant 5200 : i32
      %add3A_128 = arith.addi %add3A_127, %mul3A_126 : i32
      %get3A_129 = arith.index_cast %add3A_128 : i32 to index
      %get3A_130 = tpu.vector_load %arg5[%get3A_129] {strides = array<i32>} : memref<33280xf32, #tpu.memory_space<vmem>>, vector<16xf32>,
      %add3A_131 = arith.addf %add3A_119, %get3A_130 : vector<16xf32>
      %add3A_132 = arith.constant 16640 : i32
      %add3A_133 = arith.addi %add3A_132, %add3A_128 : i32
      %get3A_134 = arith.index_cast %add3A_133 : i32 to index
      %get3A_135 = tpu.vector_load %arg5[%get3A_134] {strides = array<i32>} : memref<33280xf32, #tpu.memory_space<vmem>>, vector<16xf32>,
      %add3A_136 = arith.addf %add3A_124, %get3A_135 : vector<16xf32>
      %mul3A_137 = arith.constant 16 : i32
      %mul3A_138 = arith.muli %scan3A_65, %mul3A_137 : i32
      %add3A_139 = arith.constant 6240 : i32
      %add3A_140 = arith.addi %add3A_139, %mul3A_138 : i32
      %get3A_141 = arith.index_cast %add3A_140 : i32 to index
      %get3A_142 = tpu.vector_load %arg5[%get3A_141] {strides = array<i32>} : memref<33280xf32, #tpu.memory_space<vmem>>, vector<16xf32>,
      %add3A_143 = arith.addf %add3A_131, %get3A_142 : vector<16xf32>
      %add3A_144 = arith.constant 16640 : i32
      %add3A_145 = arith.addi %add3A_144, %add3A_140 : i32
      %get3A_146 = arith.index_cast %add3A_145 : i32 to index
      %get3A_147 = tpu.vector_load %arg5[%get3A_146] {strides = array<i32>} : memref<33280xf32, #tpu.memory_space<vmem>>, vector<16xf32>,
      %add3A_148 = arith.addf %add3A_136, %get3A_147 : vector<16xf32>
      %mul3A_149 = arith.constant 16 : i32
      %mul3A_150 = arith.muli %scan3A_65, %mul3A_149 : i32
      %add3A_151 = arith.constant 7280 : i32
      %add3A_152 = arith.addi %add3A_151, %mul3A_150 : i32
      %get3A_153 = arith.index_cast %add3A_152 : i32 to index
      %get3A_154 = tpu.vector_load %arg5[%get3A_153] {strides = array<i32>} : memref<33280xf32, #tpu.memory_space<vmem>>, vector<16xf32>,
      %add3A_155 = arith.addf %add3A_143, %get3A_154 : vector<16xf32>
      %add3A_156 = arith.constant 16640 : i32
      %add3A_157 = arith.addi %add3A_156, %add3A_152 : i32
      %get3A_158 = arith.index_cast %add3A_157 : i32 to index
      %get3A_159 = tpu.vector_load %arg5[%get3A_158] {strides = array<i32>} : memref<33280xf32, #tpu.memory_space<vmem>>, vector<16xf32>,
      %add3A_160 = arith.addf %add3A_148, %get3A_159 : vector<16xf32>
      %mul3A_161 = arith.constant 16 : i32
      %mul3A_162 = arith.muli %scan3A_65, %mul3A_161 : i32
      %add3A_163 = arith.constant 8320 : i32
      %add3A_164 = arith.addi %add3A_163, %mul3A_162 : i32
      %get3A_165 = arith.index_cast %add3A_164 : i32 to index
      %get3A_166 = tpu.vector_load %arg5[%get3A_165] {strides = array<i32>} : memref<33280xf32, #tpu.memory_space<vmem>>, vector<16xf32>,
      %add3A_167 = arith.addf %add3A_155, %get3A_166 : vector<16xf32>
      %add3A_168 = arith.constant 16640 : i32
      %add3A_169 = arith.addi %add3A_168, %add3A_164 : i32
      %get3A_170 = arith.index_cast %add3A_169 : i32 to index
      %get3A_171 = tpu.vector_load %arg5[%get3A_170] {strides = array<i32>} : memref<33280xf32, #tpu.memory_space<vmem>>, vector<16xf32>,
      %add3A_172 = arith.addf %add3A_160, %get3A_171 : vector<16xf32>
      %mul3A_173 = arith.constant 16 : i32
      %mul3A_174 = arith.muli %scan3A_65, %mul3A_173 : i32
      %add3A_175 = arith.constant 9360 : i32
      %add3A_176 = arith.addi %add3A_175, %mul3A_174 : i32
      %get3A_177 = arith.index_cast %add3A_176 : i32 to index
      %get3A_178 = tpu.vector_load %arg5[%get3A_177] {strides = array<i32>} : memref<33280xf32, #tpu.memory_space<vmem>>, vector<16xf32>,
      %add3A_179 = arith.addf %add3A_167, %get3A_178 : vector<16xf32>
      %add3A_180 = arith.constant 16640 : i32
      %add3A_181 = arith.addi %add3A_180, %add3A_176 : i32
      %get3A_182 = arith.index_cast %add3A_181 : i32 to index
      %get3A_183 = tpu.vector_load %arg5[%get3A_182] {strides = array<i32>} : memref<33280xf32, #tpu.memory_space<vmem>>, vector<16xf32>,
      %add3A_184 = arith.addf %add3A_172, %get3A_183 : vector<16xf32>
      %mul3A_185 = arith.constant 16 : i32
      %mul3A_186 = arith.muli %scan3A_65, %mul3A_185 : i32
      %add3A_187 = arith.constant 10400 : i32
      %add3A_188 = arith.addi %add3A_187, %mul3A_186 : i32
      %get3A_189 = arith.index_cast %add3A_188 : i32 to index
      %get3A_190 = tpu.vector_load %arg5[%get3A_189] {strides = array<i32>} : memref<33280xf32, #tpu.memory_space<vmem>>, vector<16xf32>,
      %add3A_191 = arith.addf %add3A_179, %get3A_190 : vector<16xf32>
      %add3A_192 = arith.constant 16640 : i32
      %add3A_193 = arith.addi %add3A_192, %add3A_188 : i32
      %get3A_194 = arith.index_cast %add3A_193 : i32 to index
      %get3A_195 = tpu.vector_load %arg5[%get3A_194] {strides = array<i32>} : memref<33280xf32, #tpu.memory_space<vmem>>, vector<16xf32>,
      %add3A_196 = arith.addf %add3A_184, %get3A_195 : vector<16xf32>
      %mul3A_197 = arith.constant 16 : i32
      %mul3A_198 = arith.muli %scan3A_65, %mul3A_197 : i32
      %add3A_199 = arith.constant 11440 : i32
      %add3A_200 = arith.addi %add3A_199, %mul3A_198 : i32
      %get3A_201 = arith.index_cast %add3A_200 : i32 to index
      %get3A_202 = tpu.vector_load %arg5[%get3A_201] {strides = array<i32>} : memref<33280xf32, #tpu.memory_space<vmem>>, vector<16xf32>,
      %add3A_203 = arith.addf %add3A_191, %get3A_202 : vector<16xf32>
      %add3A_204 = arith.constant 16640 : i32
      %add3A_205 = arith.addi %add3A_204, %add3A_200 : i32
      %get3A_206 = arith.index_cast %add3A_205 : i32 to index
      %get3A_207 = tpu.vector_load %arg5[%get3A_206] {strides = array<i32>} : memref<33280xf32, #tpu.memory_space<vmem>>, vector<16xf32>,
      %add3A_208 = arith.addf %add3A_196, %get3A_207 : vector<16xf32>
      %mul3A_209 = arith.constant 16 : i32
      %mul3A_210 = arith.muli %scan3A_65, %mul3A_209 : i32
      %add3A_211 = arith.constant 12480 : i32
      %add3A_212 = arith.addi %add3A_211, %mul3A_210 : i32
      %get3A_213 = arith.index_cast %add3A_212 : i32 to index
      %get3A_214 = tpu.vector_load %arg5[%get3A_213] {strides = array<i32>} : memref<33280xf32, #tpu.memory_space<vmem>>, vector<16xf32>,
      %add3A_215 = arith.addf %add3A_203, %get3A_214 : vector<16xf32>
      %add3A_216 = arith.constant 16640 : i32
      %add3A_217 = arith.addi %add3A_216, %add3A_212 : i32
      %get3A_218 = arith.index_cast %add3A_217 : i32 to index
      %get3A_219 = tpu.vector_load %arg5[%get3A_218] {strides = array<i32>} : memref<33280xf32, #tpu.memory_space<vmem>>, vector<16xf32>,
      %add3A_220 = arith.addf %add3A_208, %get3A_219 : vector<16xf32>
      %mul3A_221 = arith.constant 16 : i32
      %mul3A_222 = arith.muli %scan3A_65, %mul3A_221 : i32
      %add3A_223 = arith.constant 13520 : i32
      %add3A_224 = arith.addi %add3A_223, %mul3A_222 : i32
      %get3A_225 = arith.index_cast %add3A_224 : i32 to index
      %get3A_226 = tpu.vector_load %arg5[%get3A_225] {strides = array<i32>} : memref<33280xf32, #tpu.memory_space<vmem>>, vector<16xf32>,
      %add3A_227 = arith.addf %add3A_215, %get3A_226 : vector<16xf32>
      %add3A_228 = arith.constant 16640 : i32
      %add3A_229 = arith.addi %add3A_228, %add3A_224 : i32
      %get3A_230 = arith.index_cast %add3A_229 : i32 to index
      %get3A_231 = tpu.vector_load %arg5[%get3A_230] {strides = array<i32>} : memref<33280xf32, #tpu.memory_space<vmem>>, vector<16xf32>,
      %add3A_232 = arith.addf %add3A_220, %get3A_231 : vector<16xf32>
      %mul3A_233 = arith.constant 16 : i32
      %mul3A_234 = arith.muli %scan3A_65, %mul3A_233 : i32
      %add3A_235 = arith.constant 14560 : i32
      %add3A_236 = arith.addi %add3A_235, %mul3A_234 : i32
      %get3A_237 = arith.index_cast %add3A_236 : i32 to index
      %get3A_238 = tpu.vector_load %arg5[%get3A_237] {strides = array<i32>} : memref<33280xf32, #tpu.memory_space<vmem>>, vector<16xf32>,
      %add3A_239 = arith.addf %add3A_227, %get3A_238 : vector<16xf32>
      %add3A_240 = arith.constant 16640 : i32
      %add3A_241 = arith.addi %add3A_240, %add3A_236 : i32
      %get3A_242 = arith.index_cast %add3A_241 : i32 to index
      %get3A_243 = tpu.vector_load %arg5[%get3A_242] {strides = array<i32>} : memref<33280xf32, #tpu.memory_space<vmem>>, vector<16xf32>,
      %add3A_244 = arith.addf %add3A_232, %get3A_243 : vector<16xf32>
      %mul3A_245 = arith.constant 16 : i32
      %mul3A_246 = arith.muli %scan3A_65, %mul3A_245 : i32
      %add3A_247 = arith.constant 15600 : i32
      %add3A_248 = arith.addi %add3A_247, %mul3A_246 : i32
      %get3A_249 = arith.index_cast %add3A_248 : i32 to index
      %get3A_250 = tpu.vector_load %arg5[%get3A_249] {strides = array<i32>} : memref<33280xf32, #tpu.memory_space<vmem>>, vector<16xf32>,
      %add3A_251 = arith.addf %add3A_239, %get3A_250 : vector<16xf32>
      %add3A_252 = arith.constant 16640 : i32
      %add3A_253 = arith.addi %add3A_252, %add3A_248 : i32
      %get3A_254 = arith.index_cast %add3A_253 : i32 to index
      %get3A_255 = tpu.vector_load %arg5[%get3A_254] {strides = array<i32>} : memref<33280xf32, #tpu.memory_space<vmem>>, vector<16xf32>,
      %add3A_256 = arith.addf %add3A_244, %get3A_255 : vector<16xf32>
      %mul3A_257 = arith.constant 16 : i32
      %mul3A_258 = arith.muli %scan3A_65, %mul3A_257 : i32
      %swap3A = arith.index_cast %mul3A_258 : i32 to index
      %swap3A_259 = tpu.vector_load %arg6[%swap3A] {strides = array<i32>} : memref<2048xf32, #tpu.memory_space<vmem>>, vector<16xf32>,
      tpu.vector_store %arg6[%swap3A], %add3A_251 {strides = array<i32>} : memref<2048xf32, #tpu.memory_space<vmem>>, vector<16xf32>,
      %mul3A_260 = arith.constant 16 : i32
      %mul3A_261 = arith.muli %scan3A_65, %mul3A_260 : i32
      %add3A_262 = arith.constant 1024 : i32
      %add3A_263 = arith.addi %add3A_262, %mul3A_261 : i32
      %swap3A_264 = arith.index_cast %add3A_263 : i32 to index
      %swap3A_265 = tpu.vector_load %arg6[%swap3A_264] {strides = array<i32>} : memref<2048xf32, #tpu.memory_space<vmem>>, vector<16xf32>,
      tpu.vector_store %arg6[%swap3A_264], %add3A_256 {strides = array<i32>} : memref<2048xf32, #tpu.memory_space<vmem>>, vector<16xf32>,
    }
    %scan3A_63 = arith.constant 64 : i32
    %run_scoped3A = arith.constant 0 : i32
    "tpu.region"() ({
      %run_scoped3A_65 = tpu.sem_alloc : memref<!tpu.dma_semaphore, #tpu.memory_space<semaphore_mem>>
      %dma_start3A_66 = arith.constant 0 : i32
      %dma_start3A_67 = tpu.memref_slice %arg6[%dma_start3A_66] : memref<2048xf32, #tpu.memory_space<vmem>> -> memref<1024xf32, #tpu.memory_space<vmem>>
      %dma_start3A_68 = arith.constant 0 : i32
      %dma_start3A_69 = tpu.memref_slice %arg3[%add3A, %run_scoped3A, %dma_start3A_68] : memref<32x2x1024xf32, #tpu.memory_space<hbm>> -> memref<1x1x1024xf32, #tpu.memory_space<hbm>>
      %dma_start3A_70 = tpu.memref_squeeze %dma_start3A_69 : memref<1x1x1024xf32, #tpu.memory_space<hbm>> -> memref<1024xf32, #tpu.memory_space<hbm>>
      %dma_start3A_71 = arith.constant 0 : i32
      %dma_start3A_72 = tpu.memref_slice %arg3[%add3A, %run_scoped3A, %dma_start3A_71] : memref<32x2x1024xf32, #tpu.memory_space<hbm>> -> memref<1x1x1024xf32, #tpu.memory_space<hbm>>
      %dma_start3A_73 = tpu.memref_squeeze %dma_start3A_72 : memref<1x1x1024xf32, #tpu.memory_space<hbm>> -> memref<1024xf32, #tpu.memory_space<hbm>>
      %dma_start3A_74 = arith.constant 0 : i32
      %dma_start3A_75 = tpu.memref_slice %arg6[%dma_start3A_74] : memref<2048xf32, #tpu.memory_space<vmem>> -> memref<1024xf32, #tpu.memory_space<vmem>>
      tpu.enqueue_dma source(%dma_start3A_75 : memref<1024xf32, #tpu.memory_space<vmem>>) target(%dma_start3A_73 : memref<1024xf32, #tpu.memory_space<hbm>>) target_semaphore(%run_scoped3A_65 : memref<!tpu.dma_semaphore, #tpu.memory_space<semaphore_mem>>)
      %dma_wait3A_76 = arith.constant 0 : i32
      %dma_wait3A_77 = tpu.memref_slice %arg6[%dma_wait3A_76] : memref<2048xf32, #tpu.memory_space<vmem>> -> memref<1024xf32, #tpu.memory_space<vmem>>
      %dma_wait3A_78 = arith.constant 0 : i32
      %dma_wait3A_79 = tpu.memref_slice %arg3[%add3A, %run_scoped3A, %dma_wait3A_78] : memref<32x2x1024xf32, #tpu.memory_space<hbm>> -> memref<1x1x1024xf32, #tpu.memory_space<hbm>>
      %dma_wait3A_80 = tpu.memref_squeeze %dma_wait3A_79 : memref<1x1x1024xf32, #tpu.memory_space<hbm>> -> memref<1024xf32, #tpu.memory_space<hbm>>
      %dma_wait3A_81 = arith.constant 0 : i32
      %dma_wait3A_82 = tpu.memref_slice %arg3[%add3A, %run_scoped3A, %dma_wait3A_81] : memref<32x2x1024xf32, #tpu.memory_space<hbm>> -> memref<1x1x1024xf32, #tpu.memory_space<hbm>>
      %dma_wait3A_83 = tpu.memref_squeeze %dma_wait3A_82 : memref<1x1x1024xf32, #tpu.memory_space<hbm>> -> memref<1024xf32, #tpu.memory_space<hbm>>
      %dma_wait3A_84 = arith.constant 0 : i32
      %dma_wait3A_85 = tpu.memref_slice %arg6[%dma_wait3A_84] : memref<2048xf32, #tpu.memory_space<vmem>> -> memref<1024xf32, #tpu.memory_space<vmem>>
      tpu.wait_dma2 semaphore(%run_scoped3A_65 : memref<!tpu.dma_semaphore, #tpu.memory_space<semaphore_mem>>) src(%dma_wait3A_85 : memref<1024xf32, #tpu.memory_space<vmem>>) dst(%dma_wait3A_83 : memref<1024xf32, #tpu.memory_space<hbm>>)
      tpu.yield
    }) : () -> ()
    %run_scoped3A_64 = arith.constant 1 : i32
    "tpu.region"() ({
      %run_scoped3A_65 = tpu.sem_alloc : memref<!tpu.dma_semaphore, #tpu.memory_space<semaphore_mem>>
      %dma_start3A_66 = arith.constant 1024 : i32
      %dma_start3A_67 = tpu.memref_slice %arg6[%dma_start3A_66] : memref<2048xf32, #tpu.memory_space<vmem>> -> memref<1024xf32, #tpu.memory_space<vmem>>
      %dma_start3A_68 = arith.constant 0 : i32
      %dma_start3A_69 = tpu.memref_slice %arg3[%add3A, %run_scoped3A_64, %dma_start3A_68] : memref<32x2x1024xf32, #tpu.memory_space<hbm>> -> memref<1x1x1024xf32, #tpu.memory_space<hbm>>
      %dma_start3A_70 = tpu.memref_squeeze %dma_start3A_69 : memref<1x1x1024xf32, #tpu.memory_space<hbm>> -> memref<1024xf32, #tpu.memory_space<hbm>>
      %dma_start3A_71 = arith.constant 0 : i32
      %dma_start3A_72 = tpu.memref_slice %arg3[%add3A, %run_scoped3A_64, %dma_start3A_71] : memref<32x2x1024xf32, #tpu.memory_space<hbm>> -> memref<1x1x1024xf32, #tpu.memory_space<hbm>>
      %dma_start3A_73 = tpu.memref_squeeze %dma_start3A_72 : memref<1x1x1024xf32, #tpu.memory_space<hbm>> -> memref<1024xf32, #tpu.memory_space<hbm>>
      %dma_start3A_74 = arith.constant 1024 : i32
      %dma_start3A_75 = tpu.memref_slice %arg6[%dma_start3A_74] : memref<2048xf32, #tpu.memory_space<vmem>> -> memref<1024xf32, #tpu.memory_space<vmem>>
      tpu.enqueue_dma source(%dma_start3A_75 : memref<1024xf32, #tpu.memory_space<vmem>>) target(%dma_start3A_73 : memref<1024xf32, #tpu.memory_space<hbm>>) target_semaphore(%run_scoped3A_65 : memref<!tpu.dma_semaphore, #tpu.memory_space<semaphore_mem>>)
      %dma_wait3A_76 = arith.constant 1024 : i32
      %dma_wait3A_77 = tpu.memref_slice %arg6[%dma_wait3A_76] : memref<2048xf32, #tpu.memory_space<vmem>> -> memref<1024xf32, #tpu.memory_space<vmem>>
      %dma_wait3A_78 = arith.constant 0 : i32
      %dma_wait3A_79 = tpu.memref_slice %arg3[%add3A, %run_scoped3A_64, %dma_wait3A_78] : memref<32x2x1024xf32, #tpu.memory_space<hbm>> -> memref<1x1x1024xf32, #tpu.memory_space<hbm>>
      %dma_wait3A_80 = tpu.memref_squeeze %dma_wait3A_79 : memref<1x1x1024xf32, #tpu.memory_space<hbm>> -> memref<1024xf32, #tpu.memory_space<hbm>>
      %dma_wait3A_81 = arith.constant 0 : i32
      %dma_wait3A_82 = tpu.memref_slice %arg3[%add3A, %run_scoped3A_64, %dma_wait3A_81] : memref<32x2x1024xf32, #tpu.memory_space<hbm>> -> memref<1x1x1024xf32, #tpu.memory_space<hbm>>
      %dma_wait3A_83 = tpu.memref_squeeze %dma_wait3A_82 : memref<1x1x1024xf32, #tpu.memory_space<hbm>> -> memref<1024xf32, #tpu.memory_space<hbm>>
      %dma_wait3A_84 = arith.constant 1024 : i32
      %dma_wait3A_85 = tpu.memref_slice %arg6[%dma_wait3A_84] : memref<2048xf32, #tpu.memory_space<vmem>> -> memref<1024xf32, #tpu.memory_space<vmem>>
      tpu.wait_dma2 semaphore(%run_scoped3A_65 : memref<!tpu.dma_semaphore, #tpu.memory_space<semaphore_mem>>) src(%dma_wait3A_85 : memref<1024xf32, #tpu.memory_space<vmem>>) dst(%dma_wait3A_83 : memref<1024xf32, #tpu.memory_space<hbm>>)
      tpu.yield
    }) : () -> ()
    return
  }
}

module attributes {stable_mosaic.version = 14 : i64} {
  func.func @_ce_body(%arg0: i32, %arg1: i32, %arg2: memref<1x19x256x512xf32, #tpu.memory_space<vmem>>, %arg3: memref<1x256x512xi32, #tpu.memory_space<vmem>>, %arg4: memref<1x256x512xf32, #tpu.memory_space<vmem>>) attributes {dimension_semantics = [#tpu.dimension_semantics<arbitrary>, #tpu.dimension_semantics<arbitrary>], iteration_bounds = array<i64: 4, 2>, scalar_prefetch = 0 : i64, scratch_operands = 0 : i64, tpu.core_type = #tpu.core_type<tc>, window_params = [{transform_indices = @transform_0, window_bounds = array<i64: 1, 19, 256, 512>}, {transform_indices = @transform_1, window_bounds = array<i64: 1, 256, 512>}, {transform_indices = @transform_2, window_bounds = array<i64: 1, 256, 512>}]} {
    %get3A = arith.constant 0 : index
    %get3A_0 = arith.constant 0 : index
    %get3A_1 = arith.constant 0 : index
    %get3A_2 = arith.constant 0 : index
    %get3A_3 = vector.load %arg2[%get3A, %get3A_0, %get3A_1, %get3A_2] : memref<1x19x256x512xf32, #tpu.memory_space<vmem>>, vector<1x19x256x512xf32>
    %get3A_4 = arith.constant 0 : index
    %get3A_5 = arith.constant 0 : index
    %get3A_6 = arith.constant 0 : index
    %get3A_7 = vector.load %arg3[%get3A_4, %get3A_5, %get3A_6] : memref<1x256x512xi32, #tpu.memory_space<vmem>>, vector<1x256x512xi32>
    %exp3A = math.exp %get3A_3 : vector<1x19x256x512xf32>
    %reduce_sum3A = arith.constant dense<0.000000e+00> : vector<1x256x512xf32>
    %reduce_sum3A_8 = vector.multi_reduction <add>, %exp3A, %reduce_sum3A [1] : vector<1x19x256x512xf32> to vector<1x256x512xf32>
    %log3A = math.log %reduce_sum3A_8 : vector<1x256x512xf32>
    %slice3A = vector.extract_strided_slice %get3A_3 {offsets = [0, 0, 0, 0], sizes = [1, 1, 256, 512], strides = [1, 1, 1, 1]} : vector<1x19x256x512xf32> to vector<1x1x256x512xf32>
    %squeeze3A = vector.shape_cast %slice3A : vector<1x1x256x512xf32> to vector<1x256x512xf32>
    %eq3A = arith.constant 1 : i32
    %eq3A_9 = vector.broadcast %eq3A : i32 to vector<1x256x512xi32>
    %eq3A_10 = arith.cmpi eq, %get3A_7, %eq3A_9 : vector<1x256x512xi32>
    %slice3A_11 = vector.extract_strided_slice %get3A_3 {offsets = [0, 1, 0, 0], sizes = [1, 1, 256, 512], strides = [1, 1, 1, 1]} : vector<1x19x256x512xf32> to vector<1x1x256x512xf32>
    %squeeze3A_12 = vector.shape_cast %slice3A_11 : vector<1x1x256x512xf32> to vector<1x256x512xf32>
    %select_n3A = arith.select %eq3A_10, %squeeze3A_12, %squeeze3A : vector<1x256x512xi1>, vector<1x256x512xf32>
    %eq3A_13 = arith.constant 2 : i32
    %eq3A_14 = vector.broadcast %eq3A_13 : i32 to vector<1x256x512xi32>
    %eq3A_15 = arith.cmpi eq, %get3A_7, %eq3A_14 : vector<1x256x512xi32>
    %slice3A_16 = vector.extract_strided_slice %get3A_3 {offsets = [0, 2, 0, 0], sizes = [1, 1, 256, 512], strides = [1, 1, 1, 1]} : vector<1x19x256x512xf32> to vector<1x1x256x512xf32>
    %squeeze3A_17 = vector.shape_cast %slice3A_16 : vector<1x1x256x512xf32> to vector<1x256x512xf32>
    %select_n3A_18 = arith.select %eq3A_15, %squeeze3A_17, %select_n3A : vector<1x256x512xi1>, vector<1x256x512xf32>
    %eq3A_19 = arith.constant 3 : i32
    %eq3A_20 = vector.broadcast %eq3A_19 : i32 to vector<1x256x512xi32>
    %eq3A_21 = arith.cmpi eq, %get3A_7, %eq3A_20 : vector<1x256x512xi32>
    %slice3A_22 = vector.extract_strided_slice %get3A_3 {offsets = [0, 3, 0, 0], sizes = [1, 1, 256, 512], strides = [1, 1, 1, 1]} : vector<1x19x256x512xf32> to vector<1x1x256x512xf32>
    %squeeze3A_23 = vector.shape_cast %slice3A_22 : vector<1x1x256x512xf32> to vector<1x256x512xf32>
    %select_n3A_24 = arith.select %eq3A_21, %squeeze3A_23, %select_n3A_18 : vector<1x256x512xi1>, vector<1x256x512xf32>
    %eq3A_25 = arith.constant 4 : i32
    %eq3A_26 = vector.broadcast %eq3A_25 : i32 to vector<1x256x512xi32>
    %eq3A_27 = arith.cmpi eq, %get3A_7, %eq3A_26 : vector<1x256x512xi32>
    %slice3A_28 = vector.extract_strided_slice %get3A_3 {offsets = [0, 4, 0, 0], sizes = [1, 1, 256, 512], strides = [1, 1, 1, 1]} : vector<1x19x256x512xf32> to vector<1x1x256x512xf32>
    %squeeze3A_29 = vector.shape_cast %slice3A_28 : vector<1x1x256x512xf32> to vector<1x256x512xf32>
    %select_n3A_30 = arith.select %eq3A_27, %squeeze3A_29, %select_n3A_24 : vector<1x256x512xi1>, vector<1x256x512xf32>
    %eq3A_31 = arith.constant 5 : i32
    %eq3A_32 = vector.broadcast %eq3A_31 : i32 to vector<1x256x512xi32>
    %eq3A_33 = arith.cmpi eq, %get3A_7, %eq3A_32 : vector<1x256x512xi32>
    %slice3A_34 = vector.extract_strided_slice %get3A_3 {offsets = [0, 5, 0, 0], sizes = [1, 1, 256, 512], strides = [1, 1, 1, 1]} : vector<1x19x256x512xf32> to vector<1x1x256x512xf32>
    %squeeze3A_35 = vector.shape_cast %slice3A_34 : vector<1x1x256x512xf32> to vector<1x256x512xf32>
    %select_n3A_36 = arith.select %eq3A_33, %squeeze3A_35, %select_n3A_30 : vector<1x256x512xi1>, vector<1x256x512xf32>
    %eq3A_37 = arith.constant 6 : i32
    %eq3A_38 = vector.broadcast %eq3A_37 : i32 to vector<1x256x512xi32>
    %eq3A_39 = arith.cmpi eq, %get3A_7, %eq3A_38 : vector<1x256x512xi32>
    %slice3A_40 = vector.extract_strided_slice %get3A_3 {offsets = [0, 6, 0, 0], sizes = [1, 1, 256, 512], strides = [1, 1, 1, 1]} : vector<1x19x256x512xf32> to vector<1x1x256x512xf32>
    %squeeze3A_41 = vector.shape_cast %slice3A_40 : vector<1x1x256x512xf32> to vector<1x256x512xf32>
    %select_n3A_42 = arith.select %eq3A_39, %squeeze3A_41, %select_n3A_36 : vector<1x256x512xi1>, vector<1x256x512xf32>
    %eq3A_43 = arith.constant 7 : i32
    %eq3A_44 = vector.broadcast %eq3A_43 : i32 to vector<1x256x512xi32>
    %eq3A_45 = arith.cmpi eq, %get3A_7, %eq3A_44 : vector<1x256x512xi32>
    %slice3A_46 = vector.extract_strided_slice %get3A_3 {offsets = [0, 7, 0, 0], sizes = [1, 1, 256, 512], strides = [1, 1, 1, 1]} : vector<1x19x256x512xf32> to vector<1x1x256x512xf32>
    %squeeze3A_47 = vector.shape_cast %slice3A_46 : vector<1x1x256x512xf32> to vector<1x256x512xf32>
    %select_n3A_48 = arith.select %eq3A_45, %squeeze3A_47, %select_n3A_42 : vector<1x256x512xi1>, vector<1x256x512xf32>
    %eq3A_49 = arith.constant 8 : i32
    %eq3A_50 = vector.broadcast %eq3A_49 : i32 to vector<1x256x512xi32>
    %eq3A_51 = arith.cmpi eq, %get3A_7, %eq3A_50 : vector<1x256x512xi32>
    %slice3A_52 = vector.extract_strided_slice %get3A_3 {offsets = [0, 8, 0, 0], sizes = [1, 1, 256, 512], strides = [1, 1, 1, 1]} : vector<1x19x256x512xf32> to vector<1x1x256x512xf32>
    %squeeze3A_53 = vector.shape_cast %slice3A_52 : vector<1x1x256x512xf32> to vector<1x256x512xf32>
    %select_n3A_54 = arith.select %eq3A_51, %squeeze3A_53, %select_n3A_48 : vector<1x256x512xi1>, vector<1x256x512xf32>
    %eq3A_55 = arith.constant 9 : i32
    %eq3A_56 = vector.broadcast %eq3A_55 : i32 to vector<1x256x512xi32>
    %eq3A_57 = arith.cmpi eq, %get3A_7, %eq3A_56 : vector<1x256x512xi32>
    %slice3A_58 = vector.extract_strided_slice %get3A_3 {offsets = [0, 9, 0, 0], sizes = [1, 1, 256, 512], strides = [1, 1, 1, 1]} : vector<1x19x256x512xf32> to vector<1x1x256x512xf32>
    %squeeze3A_59 = vector.shape_cast %slice3A_58 : vector<1x1x256x512xf32> to vector<1x256x512xf32>
    %select_n3A_60 = arith.select %eq3A_57, %squeeze3A_59, %select_n3A_54 : vector<1x256x512xi1>, vector<1x256x512xf32>
    %eq3A_61 = arith.constant 10 : i32
    %eq3A_62 = vector.broadcast %eq3A_61 : i32 to vector<1x256x512xi32>
    %eq3A_63 = arith.cmpi eq, %get3A_7, %eq3A_62 : vector<1x256x512xi32>
    %slice3A_64 = vector.extract_strided_slice %get3A_3 {offsets = [0, 10, 0, 0], sizes = [1, 1, 256, 512], strides = [1, 1, 1, 1]} : vector<1x19x256x512xf32> to vector<1x1x256x512xf32>
    %squeeze3A_65 = vector.shape_cast %slice3A_64 : vector<1x1x256x512xf32> to vector<1x256x512xf32>
    %select_n3A_66 = arith.select %eq3A_63, %squeeze3A_65, %select_n3A_60 : vector<1x256x512xi1>, vector<1x256x512xf32>
    %eq3A_67 = arith.constant 11 : i32
    %eq3A_68 = vector.broadcast %eq3A_67 : i32 to vector<1x256x512xi32>
    %eq3A_69 = arith.cmpi eq, %get3A_7, %eq3A_68 : vector<1x256x512xi32>
    %slice3A_70 = vector.extract_strided_slice %get3A_3 {offsets = [0, 11, 0, 0], sizes = [1, 1, 256, 512], strides = [1, 1, 1, 1]} : vector<1x19x256x512xf32> to vector<1x1x256x512xf32>
    %squeeze3A_71 = vector.shape_cast %slice3A_70 : vector<1x1x256x512xf32> to vector<1x256x512xf32>
    %select_n3A_72 = arith.select %eq3A_69, %squeeze3A_71, %select_n3A_66 : vector<1x256x512xi1>, vector<1x256x512xf32>
    %eq3A_73 = arith.constant 12 : i32
    %eq3A_74 = vector.broadcast %eq3A_73 : i32 to vector<1x256x512xi32>
    %eq3A_75 = arith.cmpi eq, %get3A_7, %eq3A_74 : vector<1x256x512xi32>
    %slice3A_76 = vector.extract_strided_slice %get3A_3 {offsets = [0, 12, 0, 0], sizes = [1, 1, 256, 512], strides = [1, 1, 1, 1]} : vector<1x19x256x512xf32> to vector<1x1x256x512xf32>
    %squeeze3A_77 = vector.shape_cast %slice3A_76 : vector<1x1x256x512xf32> to vector<1x256x512xf32>
    %select_n3A_78 = arith.select %eq3A_75, %squeeze3A_77, %select_n3A_72 : vector<1x256x512xi1>, vector<1x256x512xf32>
    %eq3A_79 = arith.constant 13 : i32
    %eq3A_80 = vector.broadcast %eq3A_79 : i32 to vector<1x256x512xi32>
    %eq3A_81 = arith.cmpi eq, %get3A_7, %eq3A_80 : vector<1x256x512xi32>
    %slice3A_82 = vector.extract_strided_slice %get3A_3 {offsets = [0, 13, 0, 0], sizes = [1, 1, 256, 512], strides = [1, 1, 1, 1]} : vector<1x19x256x512xf32> to vector<1x1x256x512xf32>
    %squeeze3A_83 = vector.shape_cast %slice3A_82 : vector<1x1x256x512xf32> to vector<1x256x512xf32>
    %select_n3A_84 = arith.select %eq3A_81, %squeeze3A_83, %select_n3A_78 : vector<1x256x512xi1>, vector<1x256x512xf32>
    %eq3A_85 = arith.constant 14 : i32
    %eq3A_86 = vector.broadcast %eq3A_85 : i32 to vector<1x256x512xi32>
    %eq3A_87 = arith.cmpi eq, %get3A_7, %eq3A_86 : vector<1x256x512xi32>
    %slice3A_88 = vector.extract_strided_slice %get3A_3 {offsets = [0, 14, 0, 0], sizes = [1, 1, 256, 512], strides = [1, 1, 1, 1]} : vector<1x19x256x512xf32> to vector<1x1x256x512xf32>
    %squeeze3A_89 = vector.shape_cast %slice3A_88 : vector<1x1x256x512xf32> to vector<1x256x512xf32>
    %select_n3A_90 = arith.select %eq3A_87, %squeeze3A_89, %select_n3A_84 : vector<1x256x512xi1>, vector<1x256x512xf32>
    %eq3A_91 = arith.constant 15 : i32
    %eq3A_92 = vector.broadcast %eq3A_91 : i32 to vector<1x256x512xi32>
    %eq3A_93 = arith.cmpi eq, %get3A_7, %eq3A_92 : vector<1x256x512xi32>
    %slice3A_94 = vector.extract_strided_slice %get3A_3 {offsets = [0, 15, 0, 0], sizes = [1, 1, 256, 512], strides = [1, 1, 1, 1]} : vector<1x19x256x512xf32> to vector<1x1x256x512xf32>
    %squeeze3A_95 = vector.shape_cast %slice3A_94 : vector<1x1x256x512xf32> to vector<1x256x512xf32>
    %select_n3A_96 = arith.select %eq3A_93, %squeeze3A_95, %select_n3A_90 : vector<1x256x512xi1>, vector<1x256x512xf32>
    %eq3A_97 = arith.constant 16 : i32
    %eq3A_98 = vector.broadcast %eq3A_97 : i32 to vector<1x256x512xi32>
    %eq3A_99 = arith.cmpi eq, %get3A_7, %eq3A_98 : vector<1x256x512xi32>
    %slice3A_100 = vector.extract_strided_slice %get3A_3 {offsets = [0, 16, 0, 0], sizes = [1, 1, 256, 512], strides = [1, 1, 1, 1]} : vector<1x19x256x512xf32> to vector<1x1x256x512xf32>
    %squeeze3A_101 = vector.shape_cast %slice3A_100 : vector<1x1x256x512xf32> to vector<1x256x512xf32>
    %select_n3A_102 = arith.select %eq3A_99, %squeeze3A_101, %select_n3A_96 : vector<1x256x512xi1>, vector<1x256x512xf32>
    %eq3A_103 = arith.constant 17 : i32
    %eq3A_104 = vector.broadcast %eq3A_103 : i32 to vector<1x256x512xi32>
    %eq3A_105 = arith.cmpi eq, %get3A_7, %eq3A_104 : vector<1x256x512xi32>
    %slice3A_106 = vector.extract_strided_slice %get3A_3 {offsets = [0, 17, 0, 0], sizes = [1, 1, 256, 512], strides = [1, 1, 1, 1]} : vector<1x19x256x512xf32> to vector<1x1x256x512xf32>
    %squeeze3A_107 = vector.shape_cast %slice3A_106 : vector<1x1x256x512xf32> to vector<1x256x512xf32>
    %select_n3A_108 = arith.select %eq3A_105, %squeeze3A_107, %select_n3A_102 : vector<1x256x512xi1>, vector<1x256x512xf32>
    %eq3A_109 = arith.constant 18 : i32
    %eq3A_110 = vector.broadcast %eq3A_109 : i32 to vector<1x256x512xi32>
    %eq3A_111 = arith.cmpi eq, %get3A_7, %eq3A_110 : vector<1x256x512xi32>
    %slice3A_112 = vector.extract_strided_slice %get3A_3 {offsets = [0, 18, 0, 0], sizes = [1, 1, 256, 512], strides = [1, 1, 1, 1]} : vector<1x19x256x512xf32> to vector<1x1x256x512xf32>
    %squeeze3A_113 = vector.shape_cast %slice3A_112 : vector<1x1x256x512xf32> to vector<1x256x512xf32>
    %select_n3A_114 = arith.select %eq3A_111, %squeeze3A_113, %select_n3A_108 : vector<1x256x512xi1>, vector<1x256x512xf32>
    %sub3A = arith.subf %log3A, %select_n3A_114 : vector<1x256x512xf32>
    %swap3A = arith.constant 0 : index
    %swap3A_115 = arith.constant 0 : index
    %swap3A_116 = arith.constant 0 : index
    %swap3A_117 = vector.load %arg4[%swap3A, %swap3A_115, %swap3A_116] : memref<1x256x512xf32, #tpu.memory_space<vmem>>, vector<1x256x512xf32>
    tpu.vector_store %arg4[%swap3A, %swap3A_115, %swap3A_116], %sub3A {strides = array<i32>} : memref<1x256x512xf32, #tpu.memory_space<vmem>>, vector<1x256x512xf32>,
    return
  }
  func.func @transform_0(%arg0: i32, %arg1: i32) -> (i32, i32, i32, i32) {
    %add3A = arith.constant 4 : i32
    %add3A_0 = arith.addi %arg0, %add3A : i32
    %c0_i32 = arith.constant 0 : i32
    %c0_i32_1 = arith.constant 0 : i32
    %c0_i32_2 = arith.constant 0 : i32
    return %add3A_0, %c0_i32, %arg1, %c0_i32_1 : i32, i32, i32, i32
  }
  func.func @transform_1(%arg0: i32, %arg1: i32) -> (i32, i32, i32) {
    %add3A = arith.constant 4 : i32
    %add3A_0 = arith.addi %arg0, %add3A : i32
    %c0_i32 = arith.constant 0 : i32
    %c0_i32_1 = arith.constant 0 : i32
    return %add3A_0, %arg1, %c0_i32 : i32, i32, i32
  }
  func.func @transform_2(%arg0: i32, %arg1: i32) -> (i32, i32, i32) {
    %c0_i32 = arith.constant 0 : i32
    %c0_i32_0 = arith.constant 0 : i32
    return %arg0, %arg1, %c0_i32 : i32, i32, i32
  }
}

module attributes {stable_mosaic.version = 14 : i64} {
  func.func @_ce_body(%arg0: i32, %arg1: i32, %arg2: memref<1x19x256x512xf32, #tpu.memory_space<vmem>>, %arg3: memref<1x256x512xi32, #tpu.memory_space<vmem>>, %arg4: memref<1x256x512xf32, #tpu.memory_space<vmem>>) attributes {dimension_semantics = [#tpu.dimension_semantics<arbitrary>, #tpu.dimension_semantics<arbitrary>], iteration_bounds = array<i64: 4, 2>, scalar_prefetch = 0 : i64, scratch_operands = 0 : i64, tpu.core_type = #tpu.core_type<tc>, window_params = [{transform_indices = @transform_0, window_bounds = array<i64: 1, 19, 256, 512>}, {transform_indices = @transform_1, window_bounds = array<i64: 1, 256, 512>}, {transform_indices = @transform_2, window_bounds = array<i64: 1, 256, 512>}]} {
    %get3A = arith.constant 0 : index
    %get3A_0 = arith.constant 0 : index
    %get3A_1 = arith.constant 0 : index
    %get3A_2 = arith.constant 0 : index
    %get3A_3 = vector.load %arg2[%get3A, %get3A_0, %get3A_1, %get3A_2] : memref<1x19x256x512xf32, #tpu.memory_space<vmem>>, vector<1x19x256x512xf32>
    %get3A_4 = arith.constant 0 : index
    %get3A_5 = arith.constant 0 : index
    %get3A_6 = arith.constant 0 : index
    %get3A_7 = vector.load %arg3[%get3A_4, %get3A_5, %get3A_6] : memref<1x256x512xi32, #tpu.memory_space<vmem>>, vector<1x256x512xi32>
    %exp3A = math.exp %get3A_3 : vector<1x19x256x512xf32>
    %reduce_sum3A = arith.constant dense<0.000000e+00> : vector<1x256x512xf32>
    %reduce_sum3A_8 = vector.multi_reduction <add>, %exp3A, %reduce_sum3A [1] : vector<1x19x256x512xf32> to vector<1x256x512xf32>
    %log3A = math.log %reduce_sum3A_8 : vector<1x256x512xf32>
    %slice3A = vector.extract_strided_slice %get3A_3 {offsets = [0, 0, 0, 0], sizes = [1, 1, 256, 512], strides = [1, 1, 1, 1]} : vector<1x19x256x512xf32> to vector<1x1x256x512xf32>
    %squeeze3A = vector.shape_cast %slice3A : vector<1x1x256x512xf32> to vector<1x256x512xf32>
    %eq3A = arith.constant 1 : i32
    %eq3A_9 = vector.broadcast %eq3A : i32 to vector<1x256x512xi32>
    %eq3A_10 = arith.cmpi eq, %get3A_7, %eq3A_9 : vector<1x256x512xi32>
    %slice3A_11 = vector.extract_strided_slice %get3A_3 {offsets = [0, 1, 0, 0], sizes = [1, 1, 256, 512], strides = [1, 1, 1, 1]} : vector<1x19x256x512xf32> to vector<1x1x256x512xf32>
    %squeeze3A_12 = vector.shape_cast %slice3A_11 : vector<1x1x256x512xf32> to vector<1x256x512xf32>
    %select_n3A = arith.select %eq3A_10, %squeeze3A_12, %squeeze3A : vector<1x256x512xi1>, vector<1x256x512xf32>
    %eq3A_13 = arith.constant 2 : i32
    %eq3A_14 = vector.broadcast %eq3A_13 : i32 to vector<1x256x512xi32>
    %eq3A_15 = arith.cmpi eq, %get3A_7, %eq3A_14 : vector<1x256x512xi32>
    %slice3A_16 = vector.extract_strided_slice %get3A_3 {offsets = [0, 2, 0, 0], sizes = [1, 1, 256, 512], strides = [1, 1, 1, 1]} : vector<1x19x256x512xf32> to vector<1x1x256x512xf32>
    %squeeze3A_17 = vector.shape_cast %slice3A_16 : vector<1x1x256x512xf32> to vector<1x256x512xf32>
    %select_n3A_18 = arith.select %eq3A_15, %squeeze3A_17, %select_n3A : vector<1x256x512xi1>, vector<1x256x512xf32>
    %eq3A_19 = arith.constant 3 : i32
    %eq3A_20 = vector.broadcast %eq3A_19 : i32 to vector<1x256x512xi32>
    %eq3A_21 = arith.cmpi eq, %get3A_7, %eq3A_20 : vector<1x256x512xi32>
    %slice3A_22 = vector.extract_strided_slice %get3A_3 {offsets = [0, 3, 0, 0], sizes = [1, 1, 256, 512], strides = [1, 1, 1, 1]} : vector<1x19x256x512xf32> to vector<1x1x256x512xf32>
    %squeeze3A_23 = vector.shape_cast %slice3A_22 : vector<1x1x256x512xf32> to vector<1x256x512xf32>
    %select_n3A_24 = arith.select %eq3A_21, %squeeze3A_23, %select_n3A_18 : vector<1x256x512xi1>, vector<1x256x512xf32>
    %eq3A_25 = arith.constant 4 : i32
    %eq3A_26 = vector.broadcast %eq3A_25 : i32 to vector<1x256x512xi32>
    %eq3A_27 = arith.cmpi eq, %get3A_7, %eq3A_26 : vector<1x256x512xi32>
    %slice3A_28 = vector.extract_strided_slice %get3A_3 {offsets = [0, 4, 0, 0], sizes = [1, 1, 256, 512], strides = [1, 1, 1, 1]} : vector<1x19x256x512xf32> to vector<1x1x256x512xf32>
    %squeeze3A_29 = vector.shape_cast %slice3A_28 : vector<1x1x256x512xf32> to vector<1x256x512xf32>
    %select_n3A_30 = arith.select %eq3A_27, %squeeze3A_29, %select_n3A_24 : vector<1x256x512xi1>, vector<1x256x512xf32>
    %eq3A_31 = arith.constant 5 : i32
    %eq3A_32 = vector.broadcast %eq3A_31 : i32 to vector<1x256x512xi32>
    %eq3A_33 = arith.cmpi eq, %get3A_7, %eq3A_32 : vector<1x256x512xi32>
    %slice3A_34 = vector.extract_strided_slice %get3A_3 {offsets = [0, 5, 0, 0], sizes = [1, 1, 256, 512], strides = [1, 1, 1, 1]} : vector<1x19x256x512xf32> to vector<1x1x256x512xf32>
    %squeeze3A_35 = vector.shape_cast %slice3A_34 : vector<1x1x256x512xf32> to vector<1x256x512xf32>
    %select_n3A_36 = arith.select %eq3A_33, %squeeze3A_35, %select_n3A_30 : vector<1x256x512xi1>, vector<1x256x512xf32>
    %eq3A_37 = arith.constant 6 : i32
    %eq3A_38 = vector.broadcast %eq3A_37 : i32 to vector<1x256x512xi32>
    %eq3A_39 = arith.cmpi eq, %get3A_7, %eq3A_38 : vector<1x256x512xi32>
    %slice3A_40 = vector.extract_strided_slice %get3A_3 {offsets = [0, 6, 0, 0], sizes = [1, 1, 256, 512], strides = [1, 1, 1, 1]} : vector<1x19x256x512xf32> to vector<1x1x256x512xf32>
    %squeeze3A_41 = vector.shape_cast %slice3A_40 : vector<1x1x256x512xf32> to vector<1x256x512xf32>
    %select_n3A_42 = arith.select %eq3A_39, %squeeze3A_41, %select_n3A_36 : vector<1x256x512xi1>, vector<1x256x512xf32>
    %eq3A_43 = arith.constant 7 : i32
    %eq3A_44 = vector.broadcast %eq3A_43 : i32 to vector<1x256x512xi32>
    %eq3A_45 = arith.cmpi eq, %get3A_7, %eq3A_44 : vector<1x256x512xi32>
    %slice3A_46 = vector.extract_strided_slice %get3A_3 {offsets = [0, 7, 0, 0], sizes = [1, 1, 256, 512], strides = [1, 1, 1, 1]} : vector<1x19x256x512xf32> to vector<1x1x256x512xf32>
    %squeeze3A_47 = vector.shape_cast %slice3A_46 : vector<1x1x256x512xf32> to vector<1x256x512xf32>
    %select_n3A_48 = arith.select %eq3A_45, %squeeze3A_47, %select_n3A_42 : vector<1x256x512xi1>, vector<1x256x512xf32>
    %eq3A_49 = arith.constant 8 : i32
    %eq3A_50 = vector.broadcast %eq3A_49 : i32 to vector<1x256x512xi32>
    %eq3A_51 = arith.cmpi eq, %get3A_7, %eq3A_50 : vector<1x256x512xi32>
    %slice3A_52 = vector.extract_strided_slice %get3A_3 {offsets = [0, 8, 0, 0], sizes = [1, 1, 256, 512], strides = [1, 1, 1, 1]} : vector<1x19x256x512xf32> to vector<1x1x256x512xf32>
    %squeeze3A_53 = vector.shape_cast %slice3A_52 : vector<1x1x256x512xf32> to vector<1x256x512xf32>
    %select_n3A_54 = arith.select %eq3A_51, %squeeze3A_53, %select_n3A_48 : vector<1x256x512xi1>, vector<1x256x512xf32>
    %eq3A_55 = arith.constant 9 : i32
    %eq3A_56 = vector.broadcast %eq3A_55 : i32 to vector<1x256x512xi32>
    %eq3A_57 = arith.cmpi eq, %get3A_7, %eq3A_56 : vector<1x256x512xi32>
    %slice3A_58 = vector.extract_strided_slice %get3A_3 {offsets = [0, 9, 0, 0], sizes = [1, 1, 256, 512], strides = [1, 1, 1, 1]} : vector<1x19x256x512xf32> to vector<1x1x256x512xf32>
    %squeeze3A_59 = vector.shape_cast %slice3A_58 : vector<1x1x256x512xf32> to vector<1x256x512xf32>
    %select_n3A_60 = arith.select %eq3A_57, %squeeze3A_59, %select_n3A_54 : vector<1x256x512xi1>, vector<1x256x512xf32>
    %eq3A_61 = arith.constant 10 : i32
    %eq3A_62 = vector.broadcast %eq3A_61 : i32 to vector<1x256x512xi32>
    %eq3A_63 = arith.cmpi eq, %get3A_7, %eq3A_62 : vector<1x256x512xi32>
    %slice3A_64 = vector.extract_strided_slice %get3A_3 {offsets = [0, 10, 0, 0], sizes = [1, 1, 256, 512], strides = [1, 1, 1, 1]} : vector<1x19x256x512xf32> to vector<1x1x256x512xf32>
    %squeeze3A_65 = vector.shape_cast %slice3A_64 : vector<1x1x256x512xf32> to vector<1x256x512xf32>
    %select_n3A_66 = arith.select %eq3A_63, %squeeze3A_65, %select_n3A_60 : vector<1x256x512xi1>, vector<1x256x512xf32>
    %eq3A_67 = arith.constant 11 : i32
    %eq3A_68 = vector.broadcast %eq3A_67 : i32 to vector<1x256x512xi32>
    %eq3A_69 = arith.cmpi eq, %get3A_7, %eq3A_68 : vector<1x256x512xi32>
    %slice3A_70 = vector.extract_strided_slice %get3A_3 {offsets = [0, 11, 0, 0], sizes = [1, 1, 256, 512], strides = [1, 1, 1, 1]} : vector<1x19x256x512xf32> to vector<1x1x256x512xf32>
    %squeeze3A_71 = vector.shape_cast %slice3A_70 : vector<1x1x256x512xf32> to vector<1x256x512xf32>
    %select_n3A_72 = arith.select %eq3A_69, %squeeze3A_71, %select_n3A_66 : vector<1x256x512xi1>, vector<1x256x512xf32>
    %eq3A_73 = arith.constant 12 : i32
    %eq3A_74 = vector.broadcast %eq3A_73 : i32 to vector<1x256x512xi32>
    %eq3A_75 = arith.cmpi eq, %get3A_7, %eq3A_74 : vector<1x256x512xi32>
    %slice3A_76 = vector.extract_strided_slice %get3A_3 {offsets = [0, 12, 0, 0], sizes = [1, 1, 256, 512], strides = [1, 1, 1, 1]} : vector<1x19x256x512xf32> to vector<1x1x256x512xf32>
    %squeeze3A_77 = vector.shape_cast %slice3A_76 : vector<1x1x256x512xf32> to vector<1x256x512xf32>
    %select_n3A_78 = arith.select %eq3A_75, %squeeze3A_77, %select_n3A_72 : vector<1x256x512xi1>, vector<1x256x512xf32>
    %eq3A_79 = arith.constant 13 : i32
    %eq3A_80 = vector.broadcast %eq3A_79 : i32 to vector<1x256x512xi32>
    %eq3A_81 = arith.cmpi eq, %get3A_7, %eq3A_80 : vector<1x256x512xi32>
    %slice3A_82 = vector.extract_strided_slice %get3A_3 {offsets = [0, 13, 0, 0], sizes = [1, 1, 256, 512], strides = [1, 1, 1, 1]} : vector<1x19x256x512xf32> to vector<1x1x256x512xf32>
    %squeeze3A_83 = vector.shape_cast %slice3A_82 : vector<1x1x256x512xf32> to vector<1x256x512xf32>
    %select_n3A_84 = arith.select %eq3A_81, %squeeze3A_83, %select_n3A_78 : vector<1x256x512xi1>, vector<1x256x512xf32>
    %eq3A_85 = arith.constant 14 : i32
    %eq3A_86 = vector.broadcast %eq3A_85 : i32 to vector<1x256x512xi32>
    %eq3A_87 = arith.cmpi eq, %get3A_7, %eq3A_86 : vector<1x256x512xi32>
    %slice3A_88 = vector.extract_strided_slice %get3A_3 {offsets = [0, 14, 0, 0], sizes = [1, 1, 256, 512], strides = [1, 1, 1, 1]} : vector<1x19x256x512xf32> to vector<1x1x256x512xf32>
    %squeeze3A_89 = vector.shape_cast %slice3A_88 : vector<1x1x256x512xf32> to vector<1x256x512xf32>
    %select_n3A_90 = arith.select %eq3A_87, %squeeze3A_89, %select_n3A_84 : vector<1x256x512xi1>, vector<1x256x512xf32>
    %eq3A_91 = arith.constant 15 : i32
    %eq3A_92 = vector.broadcast %eq3A_91 : i32 to vector<1x256x512xi32>
    %eq3A_93 = arith.cmpi eq, %get3A_7, %eq3A_92 : vector<1x256x512xi32>
    %slice3A_94 = vector.extract_strided_slice %get3A_3 {offsets = [0, 15, 0, 0], sizes = [1, 1, 256, 512], strides = [1, 1, 1, 1]} : vector<1x19x256x512xf32> to vector<1x1x256x512xf32>
    %squeeze3A_95 = vector.shape_cast %slice3A_94 : vector<1x1x256x512xf32> to vector<1x256x512xf32>
    %select_n3A_96 = arith.select %eq3A_93, %squeeze3A_95, %select_n3A_90 : vector<1x256x512xi1>, vector<1x256x512xf32>
    %eq3A_97 = arith.constant 16 : i32
    %eq3A_98 = vector.broadcast %eq3A_97 : i32 to vector<1x256x512xi32>
    %eq3A_99 = arith.cmpi eq, %get3A_7, %eq3A_98 : vector<1x256x512xi32>
    %slice3A_100 = vector.extract_strided_slice %get3A_3 {offsets = [0, 16, 0, 0], sizes = [1, 1, 256, 512], strides = [1, 1, 1, 1]} : vector<1x19x256x512xf32> to vector<1x1x256x512xf32>
    %squeeze3A_101 = vector.shape_cast %slice3A_100 : vector<1x1x256x512xf32> to vector<1x256x512xf32>
    %select_n3A_102 = arith.select %eq3A_99, %squeeze3A_101, %select_n3A_96 : vector<1x256x512xi1>, vector<1x256x512xf32>
    %eq3A_103 = arith.constant 17 : i32
    %eq3A_104 = vector.broadcast %eq3A_103 : i32 to vector<1x256x512xi32>
    %eq3A_105 = arith.cmpi eq, %get3A_7, %eq3A_104 : vector<1x256x512xi32>
    %slice3A_106 = vector.extract_strided_slice %get3A_3 {offsets = [0, 17, 0, 0], sizes = [1, 1, 256, 512], strides = [1, 1, 1, 1]} : vector<1x19x256x512xf32> to vector<1x1x256x512xf32>
    %squeeze3A_107 = vector.shape_cast %slice3A_106 : vector<1x1x256x512xf32> to vector<1x256x512xf32>
    %select_n3A_108 = arith.select %eq3A_105, %squeeze3A_107, %select_n3A_102 : vector<1x256x512xi1>, vector<1x256x512xf32>
    %eq3A_109 = arith.constant 18 : i32
    %eq3A_110 = vector.broadcast %eq3A_109 : i32 to vector<1x256x512xi32>
    %eq3A_111 = arith.cmpi eq, %get3A_7, %eq3A_110 : vector<1x256x512xi32>
    %slice3A_112 = vector.extract_strided_slice %get3A_3 {offsets = [0, 18, 0, 0], sizes = [1, 1, 256, 512], strides = [1, 1, 1, 1]} : vector<1x19x256x512xf32> to vector<1x1x256x512xf32>
    %squeeze3A_113 = vector.shape_cast %slice3A_112 : vector<1x1x256x512xf32> to vector<1x256x512xf32>
    %select_n3A_114 = arith.select %eq3A_111, %squeeze3A_113, %select_n3A_108 : vector<1x256x512xi1>, vector<1x256x512xf32>
    %sub3A = arith.subf %log3A, %select_n3A_114 : vector<1x256x512xf32>
    %swap3A = arith.constant 0 : index
    %swap3A_115 = arith.constant 0 : index
    %swap3A_116 = arith.constant 0 : index
    %swap3A_117 = vector.load %arg4[%swap3A, %swap3A_115, %swap3A_116] : memref<1x256x512xf32, #tpu.memory_space<vmem>>, vector<1x256x512xf32>
    tpu.vector_store %arg4[%swap3A, %swap3A_115, %swap3A_116], %sub3A {strides = array<i32>} : memref<1x256x512xf32, #tpu.memory_space<vmem>>, vector<1x256x512xf32>,
    return
  }
  func.func @transform_0(%arg0: i32, %arg1: i32) -> (i32, i32, i32, i32) {
    %add3A = arith.constant 0 : i32
    %add3A_0 = arith.addi %arg0, %add3A : i32
    %c0_i32 = arith.constant 0 : i32
    %c0_i32_1 = arith.constant 0 : i32
    %c0_i32_2 = arith.constant 0 : i32
    return %add3A_0, %c0_i32, %arg1, %c0_i32_1 : i32, i32, i32, i32
  }
  func.func @transform_1(%arg0: i32, %arg1: i32) -> (i32, i32, i32) {
    %add3A = arith.constant 0 : i32
    %add3A_0 = arith.addi %arg0, %add3A : i32
    %c0_i32 = arith.constant 0 : i32
    %c0_i32_1 = arith.constant 0 : i32
    return %add3A_0, %arg1, %c0_i32 : i32, i32, i32
  }
  func.func @transform_2(%arg0: i32, %arg1: i32) -> (i32, i32, i32) {
    %c0_i32 = arith.constant 0 : i32
    %c0_i32_0 = arith.constant 0 : i32
    return %arg0, %arg1, %c0_i32 : i32, i32, i32
  }
}

</mosaic_0001>

<sc_bundles>
// kernel: kernel.6.cloned.1.call-start
scs
__scs_entry_jumppad:
0x0: {  	(pc) =	sbr.rel $0x88, $3  }
0x1: {  	(tag) =	ssettag $0x0;
	lr =	simm.s32 $0x1  }
0x2: {  	[smem:$0x3F9F] =	sst lr;
	_ =	strace $0xD0000000  }
0x3: {  	_ = 	snop  }
0x4: {  	_ = 	snop  }
0x5: {  	_ = 	snop  }
0x6: {  	_ = 	snop  }
0x7: {  	_ = 	snop  }
__scs_overlays_trampoline_lowered:
0x8: {  	[smem:$0x3FAE] =	sst s0  }
0x9: {  	[smem:$0x3FAF] =	sst s1  }
0xa: {  	[smem:$0x3FB0] =	sst s2  }
0xb: {  	[smem:$0x3FB1] =	sst s3  }
0xc: {  	[smem:$0x3FB2] =	sst s4  }
0xd: {  	[smem:$0x3FB3] =	sst s5  }
0xe: {  	[smem:$0x3FB4] =	sst s6  }
0xf: {  	[smem:$0x3FB5] =	sst s7  }
0x10: {  	[smem:$0x3FB6] =	sst s8  }
0x11: {  	[smem:$0x3FB7] =	sst s9;
	s0 =	simm.s32 @!p0 $0x0  }
0x12: {  	s1 =	sld [smem:$0x3F9D];
	s0 =	simm.s32 @p0 $0x1  }
0x13: {  	[smem:$0x3FB8] =	sst s0;
	s0 =	simm.s32 @!p1 $0x0  }
0x14: {  	s2 =	sld [smem:$0x3F9C];
	s0 =	simm.s32 @p1 $0x1  }
0x15: {  	[smem:$0x3FB9] =	sst s0;
	s0 =	simm.s32 @!p2 $0x0  }
0x16: {  	s3 =	sld [smem:$0x3FDB];
	s0 =	simm.s32 @p2 $0x1  }
0x17: {  	s4 =	simm.s32 $0x1BF5;
	[smem:$0x3FBB] =	sst s0  }
0x18: {  	s0 =	sld [smem:$0x3F9E];
	_ =	swait.ge [sflag:s4], $0x0  }
0x19: {  	s7 =	sld [smem:$0x3F9F]  }
0x1a: {  	s8 =	sadd.s32 $0xFFFFE003, lr  }
0x1b: {  	s9 =	sadd.s32 $0xFFFFFEF7, lr;
	s5 =	simm.s32 $0xFFFFFFFF;
	p2 =	slt.u32 s8, $0xFFFFF086  }
0x1c: {  	p1 =	slt.u32 s9, $0xF7A;
	s5 =	simm.s32 @!p2 $0x0  }
0x1d: {  	s5 =	simm.s32 @p1 $0x1;
	p0 =	seq.s32 s7, s2  }
0x1e: {  	s7 =	smul.u32 @!p0 $0xF7A, s2;
	p2 =	seq.s32 @!p0 s5, $0x0  }
0x1f: {  	s9 =	smul.u32 $0xF7A, s1;
	s8 =	simm.s32 @!p0 $0x1BF5;
	p2 =	por !p2, p0  }
0x20: {  	[sflag:s8] =	ssyncset.s32 @!p0 $0xFFFFF086;
	s6 =	sadd.s32 @!p0 s3, s7;
	s7 =	simm.s32 @!p0 $0x108  }
0x21: {  	s3 =	sadd.s32 s3, s9;
	s6 =	sadd.s32 @!p0 $0x88, s6;
	s7 =	simm.s32 @p2 $0x1082  }
0x22: {  	[simem:s7], [sflag:s8] =	dma.local @!p0 [hbm:s6], $0xF7A  }
0x23: {  	s9 =	sor.u32 $0xD0000000, s2;
	s6 =	simm.s32 $0x108;
	_ =	swait.ge @!p0 [sflag:s8], $0x0  }
0x24: {  	s3 =	sadd.s32 $0x88, s3;
	s6 =	simm.s32 @!p1 $0x1082;
	[sflag:s4] =	ssyncset.s32 $0xFFFFF086  }
0x25: {  	[simem:s6], [sflag:s4] =	dma.local [hbm:s3], $0xF7A  }
0x26: {  	[smem:$0x3F9F] =	sst s1;
	(tag) =	ssettag s2;
	_ =	strace s9  }
0x27: {  	s1 =	sld [smem:$0x3FAF]  }
0x28: {  	s2 =	sld [smem:$0x3FB0]  }
0x29: {  	s4 =	sld [smem:$0x3FB2]  }
0x2a: {  	p0 =	seq.s32 s5, $0x0;
	s5 =	sld [smem:$0x3FB3]  }
0x2b: {  	s6 =	sld [smem:$0x3FB4]  }
0x2c: {  	s7 =	sld [smem:$0x3FB5]  }
0x2d: {  	s3 =	simm.s32 $0x108;
	s8 =	sld [smem:$0x3FB6]  }
0x2e: {  	s3 =	simm.s32 @!p0 $0x1082;
	s9 =	sld [smem:$0x3FB7]  }
0x2f: {  	lr =	sadd.s32 s0, s3;
	s0 =	sld [smem:$0x3FAE]  }
0x30: {  	s3 =	sld [smem:$0x3FB1]  }
0x31: {  	[smem:$0x3FBA] =	sst s10  }
0x32: {  	s10 =	sld [smem:$0x3FB8];
	_ =	sdelay $0x3  }
0x33: {  	p0 =	seq.s32 s10, $0x1;
	s10 =	sld [smem:$0x3FBA];
	_ =	sdelay $0x3  }
0x34: {  	[smem:$0x3FBA] =	sst s10  }
0x35: {  	s10 =	sld [smem:$0x3FB9];
	_ =	sdelay $0x3  }
0x36: {  	p1 =	seq.s32 s10, $0x1;
	s10 =	sld [smem:$0x3FBA];
	_ =	sdelay $0x3  }
0x37: {  	[smem:$0x3FBA] =	sst s10  }
0x38: {  	s10 =	sld [smem:$0x3FBB]  }
0x39: {  	_ = 	snop;
	(pc) =	sbr.ind lr, $3  }
0x3a: {  	_ = 	snop  }
0x3b: {  	_ = 	snop  }
0x3c: {  	p2 =	seq.s32 s10, $0x1;
	s10 =	sld [smem:$0x3FBA]  }
0x3d: {  	_ =	shalt  }
0x3e: {  	_ =	shalt  }
0x3f: {  	_ =	shalt  }
0x40: {  	_ =	shalt  }
0x41: {  	_ =	shalt  }
0x42: {  	_ =	shalt  }
0x43: {  	_ =	shalt  }
0x44: {  	_ =	shalt  }
0x45: {  	_ =	shalt  }
0x46: {  	_ =	shalt  }
0x47: {  	_ =	shalt  }
0x48: {  	_ =	shalt  }
0x49: {  	_ =	shalt  }
0x4a: {  	_ =	shalt  }
0x4b: {  	_ =	shalt  }
0x4c: {  	_ =	shalt  }
0x4d: {  	_ =	shalt  }
0x4e: {  	_ =	shalt  }
0x4f: {  	_ =	shalt  }
0x50: {  	_ =	shalt  }
0x51: {  	_ =	shalt  }
0x52: {  	_ =	shalt  }
0x53: {  	_ =	shalt  }
0x54: {  	_ =	shalt  }
0x55: {  	_ =	shalt  }
0x56: {  	_ =	shalt  }
0x57: {  	_ =	shalt  }
0x58: {  	_ =	shalt  }
0x59: {  	_ =	shalt  }
0x5a: {  	_ =	shalt  }
0x5b: {  	_ =	shalt  }
0x5c: {  	_ =	shalt  }
0x5d: {  	_ =	shalt  }
0x5e: {  	_ =	shalt  }
0x5f: {  	_ =	shalt  }
0x60: {  	_ =	shalt  }
0x61: {  	_ =	shalt  }
0x62: {  	_ =	shalt  }
0x63: {  	_ =	shalt  }
0x64: {  	_ =	shalt  }
0x65: {  	_ =	shalt  }
0x66: {  	_ =	shalt  }
0x67: {  	_ =	shalt  }
0x68: {  	_ =	shalt  }
0x69: {  	_ =	shalt  }
0x6a: {  	_ =	shalt  }
0x6b: {  	_ =	shalt  }
0x6c: {  	_ =	shalt  }
0x6d: {  	_ =	shalt  }
0x6e: {  	_ =	shalt  }
0x6f: {  	_ =	shalt  }
0x70: {  	_ =	shalt  }
0x71: {  	_ =	shalt  }
0x72: {  	_ =	shalt  }
0x73: {  	_ =	shalt  }
0x74: {  	_ =	shalt  }
0x75: {  	_ =	shalt  }
0x76: {  	_ =	shalt  }
0x77: {  	_ =	shalt  }
0x78: {  	_ =	shalt  }
0x79: {  	_ =	shalt  }
0x7a: {  	_ =	shalt  }
0x7b: {  	_ =	shalt  }
0x7c: {  	_ =	shalt  }
0x7d: {  	_ =	shalt  }
0x7e: {  	_ =	shalt  }
0x7f: {  	_ =	shalt  }
0x80: {  	_ =	shalt  }
0x81: {  	_ =	shalt  }
0x82: {  	_ =	shalt  }
0x83: {  	_ =	shalt  }
0x84: {  	_ =	shalt  }
0x85: {  	_ =	shalt  }
0x86: {  	_ =	shalt  }
0x87: {  	_ =	shalt  }
.Lfunc_end0:
.L_simem_size_0:
called_computation_lowered:
.L_overlay_start_0:
0x88: {  	s2 =	sld [smem:$0x3FD9]  }
0x89: {  	s3 =	sld [smem:$0x3FFE];
	_ =	sdelay $0x1  }
0x8a: {  	s1 =	srdreg.scid  }
0x8b: {  	s0 =	sand.u32 $0x1, s1  }
0x8c: {  	s17 =	sshll.u32 s0, $0xA;
	s2 =	sadd.s32 s3, s2  }
0x8d: {  	s2 =	sadd.s32 s2, s17  }
0x8e: {  	[smem:$0x3FC6] =	sst s2  }
0x8f: {  	_ = 	snop  }
0x90: {  	(tm) =	ssettm $0x1  }
0x91: {  	s18 =	sld [smem:$0x3FFB];
	_ =	sdelay $0x3  }
0x92: {  	_ =	strace s18  }
0x93: {  	s2 =	sld [smem:$0x3FFC];
	_ =	sdelay $0x3  }
0x94: {  	_ =	strace s2  }
0x95: {  	s2 =	sld [smem:$0x3FFD];
	_ =	sdelay $0x3  }
0x96: {  	_ =	strace s2  }
0x97: {  	_ =	strace $0x8FFFFFFF  }
0x98: {  	s19 =	sld [smem:$0x3FDB];
	_ =	sdelay $0x1  }
0x99: {  	s20 =	simm.s32 $_scs_section_size  }
0x9a: {  	s4 =	simm.s32 $_size__tile_overlayer_lowered;
	s5 =	simm.s32 $_tile_overlayer_lowered  }
0x9b: {  	s6 =	simm.s32 $0x1BFF;
	s21 =	sshll.u32 s5, $0x1;
	s3 =	sadd.s32 s20, s19  }
0x9c: {  	s22 =	simm.s32 $0x0;
	s4 =	sshll.u32 s4, $0x1;
	s5 =	sadd.s32 s21, s3  }
0x9d: {  	[timem:s22], [sflag:s6] =	dma.local [hbm:s5], s4  }
0x9e: {  	_ =	swait.ge [sflag:s6], s4  }
0x9f: {  	s4 =	ssub.s32 $0x0, s4;
	[sflag:s6] =	ssyncset.done $0x0  }
0xa0: {  	[sflag:s6] =	ssyncadd.s32 s4;
	_ =	sdelay $0x1  }
0xa1: {  	s23 =	simm.s32 $0x1B8B  }
0xa2: {  	_ =	swait.ge [sflag:s23], $0x1  }
0xa3: {  	[sflag:s23] =	ssyncset.done $0x0  }
0xa4: {  	[sflag:s23] =	ssyncadd.s32 $0xFFFFFFFF  }
0xa5: {  	s4 =	sld [smem:$0x0]  }
0xa6: {  	s5 =	sand.u32 $0xFFFFFFFE, s1  }
0xa7: {  	p0 =	sne.s32 s1, s5  }
0xa8: {  	s5 =	sshll.u32 @p0 s5, $0xE  }
0xa9: {  	s5 =	sadd.s32 @p0 $0x11B8D, s5;
	s6 =	sshll.u32 @p0 s4, $0x11  }
0xaa: {  	s5 =	sor.u32 @p0 s6, s5  }
0xab: {  	[sflag:s5] =	ssyncadd.remote.s32 @p0 $0x1;
	_ =	sdelay $0x1  }
0xac: {  	s5 =	simm.s32 @p0 $0x1B8D  }
0xad: {  	_ =	swait.eq @p0 [sflag:s5], $0x1  }
0xae: {  	[sflag:s5] =	ssyncadd.s32 @p0 $0xFFFFFFFF  }
0xaf: {  	s6 =	sshll.u32 @!p0 s1, $0xE  }
0xb0: {  	s6 =	sor.u32 @!p0 $0x4000, s6;
	s5 =	simm.s32 @!p0 $0x1B8D  }
0xb1: {  	s4 =	sshll.u32 @!p0 s4, $0x11;
	s6 =	sadd.s32 @!p0 $0x11B8D, s6;
	_ =	swait.eq @!p0 [sflag:s5], $0x1  }
0xb2: {  	s4 =	sor.u32 @!p0 s4, s6;
	[sflag:s5] =	ssyncadd.s32 @!p0 $0xFFFFFFFF  }
0xb3: {  	s25 =	simm.s32 $0x1B8E;
	s24 =	sld [smem:$0x3FFE];
	[sflag:s4] =	ssyncadd.remote.s32 @!p0 $0x1  }
0xb4: {  	s26 =	simm.s32 $execute0_lowered;
	[smem:$0x3FD2] =	sst s25  }
0xb5: {  	s5 =	sshll.u32 s26, $0x1;
	_ =	strace $0x80000049;
	[dreg:$0x1] =	wrdreg $0xFFFFFFFF  }
0xb6: {  	s28 =	simm.s32 $_size_execute0_lowered;
	s3 =	sadd.s32 s3, s5;
	[dreg:$0x0] =	wrdreg $0x0  }
0xb7: {  	s5 =	sshll.u32 s28, $0x1;
	[dreg:$0x2] =	wrdreg s3  }
0xb8: {  	[dreg:$0x3] =	wrdreg s5  }
0xb9: {  	[dreg:$0x4] =	wrdreg $0xC0  }
0xba: {  	_ =	task [dreg:s22], $0x5FFFF  }
0xbb: {  	[dreg:$0x1] =	wrdreg $0xFFFFFFFF  }
0xbc: {  	[dreg:$0x0] =	wrdreg $0x60  }
0xbd: {  	[dreg:$0x2] =	wrdreg s24  }
0xbe: {  	[dreg:$0x3] =	wrdreg $0x9  }
0xbf: {  	_ =	task.clear_ibuf [dreg:s22], $0x4FFFF;
	_ =	strace $0x90000049  }
0xc0: {  	s29 =	simm.s32 $0x9;
	_ =	strace $0x8000004B  }
0xc1: {  	_ =	swait.ge [sflag:s29], $0x1  }
0xc2: {  	[sflag:s29] =	ssyncadd.s32 $0xFFFFFFFF  }
0xc3: {  	_ =	strace $0x9000004B  }
0xc4: {  	_ =	sfence  }
0xc5: {  	s30 =	sld [smem:$0x0];
	_ =	sdelay $0x2  }
0xc6: {  	s31 =	sshll.u32 s1, $0xD;
	s1 =	sshrl.u32 s1, $0x2  }
0xc7: {  	s4 =	sand.u32 $0x4000, s31;
	s1 =	sadd.s32 s1, s30  }
0xc8: {  	s0 =	sor.u32 s4, s0;
	s1 =	sshll.u32 s1, $0x11  }
0xc9: {  	s0 =	sor.u32 s1, s0  }
0xca: {  	s0 =	sadd.s32 $0x8F2B, s0  }
0xcb: {  	[sflag:s0] =	ssyncadd.remote.s32 $0x1  }
0xcc: {  	_ =	sfence.sel $0xFFFF  }
0xcd: {  	[dreg:$0x0] =	wrdreg $0xFFFFFFFF;
	(pc) =	sbr.abs _section_cstart, $3  }
0xce: {  	[dreg:$0x1] =	wrdreg $0xFFFFFFFF  }
0xcf: {  	_ =	task.clear_ibuf [dreg:s22], $0x2FFFF;
	_ =	strace $0x9FFFFFFF  }
0xd0: {  	(tm) =	ssettm $0x7FFFFFFF  }
0xd1: {  	_ =	shalt  }
tec
execute0_lowered:
.L_overlay_start_1:
0x0: {  	(tag) =	ssettag $0x1  }
0x1: {  	s3 =	rddreg [dreg:$0x0]  }
0x2: {  	s0 =	rddreg [dreg:$0x1];
	s2 =	simm.s32 $0x0  }
0x3: {  	s1 =	stileid.u32;
	s4 =	srdreg.scid;
	s9 =	simm.s32 $0x80  }
0x4: {  	s10 =	simm.s32 $0x100;
	s11 =	simm.s32 $0x10200;
	s12 =	simm.s32 $0x2  }
0x5: {  	s13 =	simm.s32 $0x10600;
	s14 =	simm.s32 $0x0;
	[smem:$0x7FF] =	sst s2  }
0x6: {  	s5 =	sshll.u32 s1, $0xD;
	s4 =	sand.u32 $0x1, s4;
	s6 =	sshll.u32 s1, $0x1  }
0x7: {  	_ =	strace $0x8000004A;
	s5 =	sand.u32 $0x18000, s5;
	s6 =	sor.u32 s4, s6  }
0x8: {  	s4 =	ssub.s32 $0x2, s4;
	s5 =	sadd.s32 s5, s3;
	s7 =	sshll.u32 s6, $0xC  }
0x9: {  	v0 =	vlaneseq.u32;
	s6 =	sshll.u32 s6, $0x8;
	s8 =	sshrl.u32 s4, $0x1;
	s7 =	sand.u32 $0x7000, s7  }
0xa: {  	v3 =	vmul.u32 $0x410, v0;
	s6 =	sadd.s32 s6, s3;
	s8 =	ssub.s32 s4, s8;
	s31 =	sadd.s32 s7, s5  }
0xb: {  	v2 =	vimm.f32 $1.000000000e+00;
	s4 =	sadd.s32 $0x42000, s6;
	s5 =	sadd.s32 $0x42010, s6;
	s6 =	smax.u32 s8, $0x1  }
0xc: {  	v0 =	vimm.f32 $0.0e+00;
	v1 =	vadd.s32 $0xFFFFF380, v3;
	v3 =	vadd.s32 $0x3480, v3;
	s7 =	simm.s32 $0x1;
	s8 =	simm.s32 $0x8000;
	s3 =	sadd.s32 $0x22000, s31  }
.LBB2_1:
0xd: {  	[tilespmem:s2], [sflag:$0x1] =	stream.linear.gather [hbm4b:s3+s2], $0x8000, $0x38;
	[tilespmem:$0x10A00] =	vst v63  }
0xe: {  	s15 =	simm.s32 $0x8040  }
0xf: {  	[tilespmem:s15+$0xFFFFFFC0] =	vst v0  }
0x10: {  	[tilespmem:s15+$0x30] =	vst v0  }
0x11: {  	[tilespmem:s15+$0x20] =	vst v0  }
0x12: {  	[tilespmem:s15+$0x10] =	vst v0  }
0x13: {  	[tilespmem:s15+$0x0] =	vst v0  }
0x14: {  	[tilespmem:s15+$0xFFFFFFF0] =	vst v0  }
0x15: {  	s16 =	simm.s32 $0x0;
	[tilespmem:s15+$0xFFFFFFE0] =	vst v0  }
.LBB2_2:
0x16: {  	s16 =	sadd.s32 $0x8, s16;
	[tilespmem:s15+$0xFFFFFFD0] =	vst v0;
	s15 =	sadd.s32 $0x80, s15  }
0x17: {  	[tilespmem:s15+$0xFFFFFFC0] =	vst v0;
	p0 =	slt.u32 s16, $0x818  }
0x18: {  	[tilespmem:s15+$0x30] =	vst v0  }
.Ltmp0:
0x19: {  	[tilespmem:s15+$0x20] =	vst v0;
	(pc) =	sbr.rel @p0 .LBB2_2-.Ltmp0, $4  }
0x1a: {  	[tilespmem:s15+$0x10] =	vst v0  }
0x1b: {  	[tilespmem:s15+$0x0] =	vst v0  }
0x1c: {  	[tilespmem:s15+$0xFFFFFFF0] =	vst v0  }
0x1d: {  	[tilespmem:s15+$0xFFFFFFE0] =	vst v0  }
0x1e: {  	[tilespmem:s15+$0xFFFFFFD0] =	vst v0;
	s15 =	simm.s32 $0x0;
	s16 =	simm.s32 $0x0;
	s17 =	simm.s32 $0x0  }
0x1f: {  	_ =	swait.ge [sflag:s7], $0x8000;
	s16 =	sand.u32 $0x7000, s16;
	s18 =	sand.u32 $0xC00, s15  }
0x20: {  	s17 =	sand.u32 $0x380, s17;
	[sflag:s7] =	ssyncset.done $0x0;
	s16 =	sor.u32 s18, s16  }
0x21: {  	[sflag:s7] =	ssyncadd.s32 $0xFFFF8000;
	s18 =	sor.u32 s17, s16  }
0x22: {  	v4 =	vld [tilespmem:s18+$0x10];
	_ =	sdelay $0x2  }
0x23: {  	v7 =	vld [tilespmem:s18+$0x30];
	_ =	sdelay $0x1  }
0x24: {  	v5 =	vshrl.u32 v4, $0x12  }
0x25: {  	v5 =	vmax.u32 v5, $0xC80  }
0x26: {  	v8 =	vld [tilespmem:s18+$0x40];
	v5 =	vmin.u32 v5, $0x107F  }
0x27: {  	s31 =	simm.s32 $0x80;
	s16 =	simm.s32 $0x400;
	v11 =	vld [tilespmem:s18+$0x60];
	v9 =	vshrl.u32 v7, $0x12;
	v6 =	vadd.s32 v1, v5  }
0x28: {  	s19 =	simm.s32 $0x20;
	s17 =	sand.u32 $0x7000, s31;
	v12 =	vld [tilespmem:s18+$0x20];
	s20 =	sand.u32 $0xC00, s16;
	v9 =	vmax.u32 v9, $0xC80;
	v5 =	vadd.s32 v3, v5  }
0x29: {  	s19 =	sand.u32 $0x380, s19;
	v14 =	vld [tilespmem:s18+$0x50];
	s17 =	sor.u32 s20, s17;
	v9 =	vmin.u32 v9, $0x107F  }
0x2a: {  	v17 =	vld [tilespmem:s18+$0x70];
	s17 =	sor.u32 s19, s17;
	v13 =	vadd.s32 v1, v9  }
0x2b: {  	v10 =	vshrl.u32 v8, $0x12;
	v15 =	vadd.s32 v3, v9;
	v9 =	vld [tilespmem:s17+$0x10]  }
0x2c: {  	[tilespmem:v6+s8+$0x0] =	vst.idx.add.f32.msk $0xffff, v2;
	v6 =	vmax.u32 v10, $0xC80  }
0x2d: {  	[tilespmem:v5+s8+$0x0] =	vst.idx.add.f32.msk $0xffff, v4;
	v4 =	vmin.u32 v6, $0x107F  }
0x2e: {  	v10 =	vld [tilespmem:s18+$0x0];
	v6 =	vshrl.u32 v12, $0x12;
	v16 =	vadd.s32 v1, v4  }
0x2f: {  	[tilespmem:v13+s8+$0x0] =	vst.idx.add.f32.msk $0xffff, v2;
	v13 =	vadd.s32 v3, v4;
	v4 =	vmax.u32 v6, $0xC80  }
0x30: {  	v18 =	vshrl.u32 v14, $0x12;
	v5 =	vld [tilespmem:s17+$0x30];
	v4 =	vmin.u32 v4, $0x107F  }
0x31: {  	[tilespmem:v15+s8+$0x0] =	vst.idx.add.f32.msk $0xffff, v7;
	v15 =	vmax.u32 v18, $0xC80;
	v19 =	vadd.s32 v1, v4  }
0x32: {  	v7 =	vshrl.u32 v11, $0x12;
	v6 =	vld [tilespmem:s17+$0x40];
	v15 =	vmin.u32 v15, $0x107F  }
0x33: {  	v18 =	vshrl.u32 v17, $0x12;
	v7 =	vmax.u32 v7, $0xC80;
	v20 =	vadd.s32 v1, v15;
	[tilespmem:v16+s8+$0x0] =	vst.idx.add.f32.msk $0xffff, v2  }
0x34: {  	v15 =	vadd.s32 v3, v15;
	v16 =	vmax.u32 v18, $0xC80;
	v18 =	vadd.s32 v3, v4;
	v4 =	vld [tilespmem:s17+$0x60]  }
0x35: {  	[tilespmem:v13+s8+$0x0] =	vst.idx.add.f32.msk $0xffff, v8;
	v13 =	vmin.u32 v7, $0x107F  }
0x36: {  	[tilespmem:v19+s8+$0x0] =	vst.idx.add.f32.msk $0xffff, v2;
	v19 =	vadd.s32 v1, v13  }
0x37: {  	v7 =	vshrl.u32 v10, $0x12;
	v8 =	vld [tilespmem:s17+$0x20];
	v13 =	vadd.s32 v3, v13  }
0x38: {  	v16 =	vmin.u32 v16, $0x107F;
	[tilespmem:v20+s8+$0x0] =	vst.idx.add.f32.msk $0xffff, v2;
	v7 =	vmax.u32 v7, $0xC80  }
0x39: {  	v21 =	vadd.s32 v1, v16;
	[tilespmem:v15+s8+$0x0] =	vst.idx.add.f32.msk $0xffff, v14;
	v22 =	vmin.u32 v7, $0x107F  }
0x3a: {  	v23 =	vadd.s32 v1, v22;
	[tilespmem:v18+s8+$0x0] =	vst.idx.add.f32.msk $0xffff, v12  }
0x3b: {  	v63 =	vshrl.u32 v9, $0x12;
	v18 =	vadd.s32 v3, v16;
	[tilespmem:v19+s8+$0x0] =	vst.idx.add.f32.msk $0xffff, v2;
	v19 =	vshrl.u32 v4, $0x12  }
0x3c: {  	v12 =	vadd.s32 v3, v22;
	[tilespmem:v13+s8+$0x0] =	vst.idx.add.f32.msk $0xffff, v11;
	v11 =	vmax.u32 v19, $0xC80;
	v19 =	vmax.u32 v63, $0xC80  }
0x3d: {  	v7 =	vld [tilespmem:s17+$0x50];
	v19 =	vmin.u32 v19, $0x107F  }
0x3e: {  	[tilespmem:v21+s8+$0x0] =	vst.idx.add.f32.msk $0xffff, v2;
	v15 =	vadd.s32 v1, v19  }
0x3f: {  	v16 =	vshrl.u32 v5, $0x12;
	[tilespmem:v23+s8+$0x0] =	vst.idx.add.f32.msk $0xffff, v2;
	v14 =	vadd.s32 v3, v19  }
0x40: {  	s18 =	simm.s32 $0x8;
	v16 =	vmax.u32 v16, $0xC80;
	v13 =	vshrl.u32 v6, $0x12;
	v11 =	vmin.u32 v11, $0x107F;
	[tilespmem:v18+s8+$0x0] =	vst.idx.add.f32.msk $0xffff, v17  }
.LBB2_4:
0x41: {  	s18 =	sadd.s32 $0x8, s18;
	v16 =	vmin.u32 v16, $0x107F;
	s16 =	sadd.s32 $0x400, s16;
	[tilespmem:v12+s8+$0x0] =	vst.idx.add.f32.msk $0xffff, v10  }
0x42: {  	v10 =	vmax.u32 v13, $0xC80;
	s19 =	sshll.u32 s18, $0x4;
	s20 =	sshll.u32 s18, $0x2;
	p0 =	slt.u32 s18, $0x7F8;
	v12 =	vadd.s32 v1, v16;
	v17 =	vld [tilespmem:s17+$0x70]  }
0x43: {  	s21 =	sand.u32 $0xC00, s16;
	v13 =	vmin.u32 v10, $0x107F;
	v10 =	vshrl.u32 v7, $0x12;
	s19 =	sand.u32 $0x7000, s19;
	[tilespmem:v15+s8+$0x0] =	vst.idx.add.f32.msk $0xffff, v2  }
0x44: {  	s20 =	sand.u32 $0x380, s20;
	s19 =	sor.u32 s21, s19;
	[tilespmem:v14+s8+$0x0] =	vst.idx.add.f32.msk $0xffff, v9;
	v9 =	vshrl.u32 v8, $0x12;
	v14 =	vmax.u32 v10, $0xC80  }
0x45: {  	v15 =	vadd.s32 v3, v16;
	v10 =	vld [tilespmem:s17+$0x0];
	s17 =	sor.u32 s20, s19;
	v14 =	vmin.u32 v14, $0x107F  }
0x46: {  	v18 =	vadd.s32 v1, v13;
	v13 =	vadd.s32 v3, v13;
	v16 =	vld [tilespmem:s17+$0x30]  }
0x47: {  	v19 =	vmax.u32 v9, $0xC80;
	[tilespmem:v12+s8+$0x0] =	vst.idx.add.f32.msk $0xffff, v2;
	v12 =	vshrl.u32 v17, $0x12  }
0x48: {  	v19 =	vmin.u32 v19, $0x107F;
	v9 =	vld [tilespmem:s17+$0x10];
	v12 =	vmax.u32 v12, $0xC80  }
0x49: {  	v21 =	vadd.s32 v1, v14;
	v20 =	vld [tilespmem:s17+$0x40];
	v22 =	vmin.u32 v12, $0x107F  }
0x4a: {  	v24 =	vadd.s32 v3, v14;
	v23 =	vadd.s32 v1, v19;
	v12 =	vshrl.u32 v10, $0x12;
	[tilespmem:v15+s8+$0x0] =	vst.idx.add.f32.msk $0xffff, v5  }
0x4b: {  	v14 =	vadd.s32 v3, v19;
	v25 =	vshrl.u32 v16, $0x12;
	v12 =	vmax.u32 v12, $0xC80;
	[tilespmem:v18+s8+$0x0] =	vst.idx.add.f32.msk $0xffff, v2;
	v5 =	vmovc v16  }
0x4c: {  	v16 =	vadd.s32 v1, v22;
	v15 =	vld [tilespmem:s17+$0x60];
	v12 =	vmin.u32 v12, $0x107F  }
0x4d: {  	v18 =	vadd.s32 v1, v12;
	[tilespmem:v13+s8+$0x0] =	vst.idx.add.f32.msk $0xffff, v6  }
0x4e: {  	v12 =	vadd.s32 v3, v12;
	v19 =	vld [tilespmem:s17+$0x20];
	v6 =	vmov v20  }
0x4f: {  	v20 =	vadd.s32 v1, v11;
	[tilespmem:v23+s8+$0x0] =	vst.idx.add.f32.msk $0xffff, v2  }
0x50: {  	v26 =	vadd.s32 v3, v11;
	v23 =	vld [tilespmem:s17+$0x50]  }
0x51: {  	v22 =	vadd.s32 v3, v22;
	v11 =	vshrl.u32 v15, $0x12;
	[tilespmem:v14+s8+$0x0] =	vst.idx.add.f32.msk $0xffff, v8  }
0x52: {  	v13 =	vshrl.u32 v6, $0x12;
	v27 =	vmax.u32 v11, $0xC80;
	[tilespmem:v21+s8+$0x0] =	vst.idx.add.f32.msk $0xffff, v2  }
0x53: {  	v14 =	vshrl.u32 v9, $0x12;
	v11 =	vmin.u32 v27, $0x107F;
	[tilespmem:v16+s8+$0x0] =	vst.idx.add.f32.msk $0xffff, v2;
	v8 =	vmov v19  }
.Ltmp1:
0x54: {  	v14 =	vmax.u32 v14, $0xC80;
	[tilespmem:v20+s8+$0x0] =	vst.idx.add.f32.msk $0xffff, v2;
	(pc) =	sbr.rel @p0 .LBB2_4-.Ltmp1, $4  }
0x55: {  	v14 =	vmin.u32 v14, $0x107F;
	[tilespmem:v26+s8+$0x0] =	vst.idx.add.f32.msk $0xffff, v4;
	v4 =	vmov v15  }
0x56: {  	v15 =	vadd.s32 v1, v14;
	[tilespmem:v18+s8+$0x0] =	vst.idx.add.f32.msk $0xffff, v2  }
0x57: {  	v14 =	vadd.s32 v3, v14;
	[tilespmem:v24+s8+$0x0] =	vst.idx.add.f32.msk $0xffff, v7;
	v7 =	vmov v23  }
0x58: {  	v16 =	vmax.u32 v25, $0xC80;
	[tilespmem:v22+s8+$0x0] =	vst.idx.add.f32.msk $0xffff, v17  }
0x59: {  	_ =	sdelay $0x1  }
0x5a: {  	v16 =	vmin.u32 v16, $0x107F  }
0x5b: {  	v17 =	vld [tilespmem:s17+$0x70];
	v13 =	vmax.u32 v13, $0xC80;
	v18 =	vadd.s32 v1, v16  }
0x5c: {  	[tilespmem:v12+s8+$0x0] =	vst.idx.add.f32.msk $0xffff, v10;
	v51 =	vshrl.u32 v8, $0x12;
	v50 =	vmin.u32 v13, $0x107F;
	v52 =	vadd.s32 v3, v16  }
0x5d: {  	v53 =	vld [tilespmem:s17+$0x0];
	v54 =	vshrl.u32 v7, $0x12;
	v12 =	vmax.u32 v51, $0xC80;
	v19 =	vadd.s32 v1, v50  }
0x5e: {  	[tilespmem:v15+s8+$0x0] =	vst.idx.add.f32.msk $0xffff, v2;
	v55 =	vmax.u32 v54, $0xC80;
	v10 =	vadd.s32 v3, v50;
	v12 =	vmin.u32 v12, $0x107F  }
0x5f: {  	[tilespmem:v14+s8+$0x0] =	vst.idx.add.f32.msk $0xffff, v9;
	v9 =	vmin.u32 v55, $0x107F;
	v57 =	vadd.s32 v1, v12  }
0x60: {  	v58 =	vadd.s32 v1, v9;
	v56 =	vshrl.u32 v17, $0x12;
	[tilespmem:v18+s8+$0x0] =	vst.idx.add.f32.msk $0xffff, v2  }
0x61: {  	v12 =	vadd.s32 v3, v12;
	v14 =	vmax.u32 v56, $0xC80;
	[tilespmem:v52+s8+$0x0] =	vst.idx.add.f32.msk $0xffff, v5  }
0x62: {  	v62 =	vadd.s32 v3, v9;
	v14 =	vmin.u32 v14, $0x107F;
	[tilespmem:v19+s8+$0x0] =	vst.idx.add.f32.msk $0xffff, v2  }
0x63: {  	v59 =	vadd.s32 v1, v14;
	[tilespmem:v10+s8+$0x0] =	vst.idx.add.f32.msk $0xffff, v6  }
0x64: {  	v5 =	vshrl.u32 v53, $0x12;
	v6 =	vadd.s32 v1, v11;
	[tilespmem:v57+s8+$0x0] =	vst.idx.add.f32.msk $0xffff, v2  }
0x65: {  	v60 =	vadd.s32 v3, v11;
	v5 =	vmax.u32 v5, $0xC80;
	[tilespmem:v58+s8+$0x0] =	vst.idx.add.f32.msk $0xffff, v2  }
0x66: {  	v63 =	vadd.s32 v3, v14;
	v5 =	vmin.u32 v5, $0x107F;
	[tilespmem:v12+s8+$0x0] =	vst.idx.add.f32.msk $0xffff, v8  }
0x67: {  	[tilespmem:v62+s8+$0x0] =	vst.idx.add.f32.msk $0xffff, v7;
	v61 =	vadd.s32 v1, v5  }
0x68: {  	v5 =	vadd.s32 v3, v5;
	[tilespmem:v59+s8+$0x0] =	vst.idx.add.f32.msk $0xffff, v2  }
0x69: {  	[tilespmem:v6+s8+$0x0] =	vst.idx.add.f32.msk $0xffff, v2  }
0x6a: {  	[tilespmem:v60+s8+$0x0] =	vst.idx.add.f32.msk $0xffff, v4  }
0x6b: {  	[tilespmem:v63+s8+$0x0] =	vst.idx.add.f32.msk $0xffff, v17  }
0x6c: {  	[tilespmem:v61+s8+$0x0] =	vst.idx.add.f32.msk $0xffff, v2  }
0x6d: {  	s16 =	simm.s32 $0x0;
	[tilespmem:v5+s8+$0x0] =	vst.idx.add.f32.msk $0xffff, v53  }
0x6e: {  	s17 =	sand.u32 $0x3F0, s15;
	s18 =	simm.s32 $0x40;
	v4 =	vld [tilespmem:s16+$0x8000]  }
.LBB2_6:
0x6f: {  	p0 =	sne.s32 s18, $0xFC0;
	v5 =	vld [tilespmem:s17+$0xC100]  }
0x70: {  	v6 =	vld [tilespmem:s16+$0x8410]  }
0x71: {  	v7 =	vld [tilespmem:s16+$0xC510]  }
0x72: {  	v8 =	vld [tilespmem:s16+$0x8820]  }
0x73: {  	v4 =	vadd.f32 $0.0e+00, v4;
	v9 =	vld [tilespmem:s16+$0xC920]  }
0x74: {  	v5 =	vadd.f32 $0.0e+00, v5;
	v10 =	vld [tilespmem:s16+$0x8C30]  }
0x75: {  	v4 =	vadd.f32 v6, v4;
	v6 =	vld [tilespmem:s16+$0xCD30]  }
0x76: {  	v5 =	vadd.f32 v7, v5;
	v7 =	vld [tilespmem:s16+$0x9040]  }
0x77: {  	v4 =	vadd.f32 v8, v4;
	v8 =	vld [tilespmem:s16+$0xD140]  }
0x78: {  	v5 =	vadd.f32 v9, v5;
	v9 =	vld [tilespmem:s16+$0x9450]  }
0x79: {  	v4 =	vadd.f32 v10, v4;
	v10 =	vld [tilespmem:s16+$0xD550]  }
0x7a: {  	v5 =	vadd.f32 v6, v5;
	v6 =	vld [tilespmem:s16+$0x9860]  }
0x7b: {  	v4 =	vadd.f32 v7, v4;
	v7 =	vld [tilespmem:s16+$0xD960]  }
0x7c: {  	v5 =	vadd.f32 v8, v5;
	v8 =	vld [tilespmem:s16+$0x9C70]  }
0x7d: {  	v4 =	vadd.f32 v9, v4;
	v9 =	vld [tilespmem:s16+$0xDD70]  }
0x7e: {  	v5 =	vadd.f32 v10, v5;
	v10 =	vld [tilespmem:s17+$0xA080]  }
0x7f: {  	v4 =	vadd.f32 v6, v4;
	v6 =	vld [tilespmem:s17+$0xE180]  }
0x80: {  	v5 =	vadd.f32 v7, v5;
	v7 =	vld [tilespmem:s16+$0xA490]  }
0x81: {  	v4 =	vadd.f32 v8, v4;
	v8 =	vld [tilespmem:s16+$0xE590]  }
0x82: {  	v5 =	vadd.f32 v9, v5;
	v9 =	vld [tilespmem:s16+$0xA8A0]  }
0x83: {  	v4 =	vadd.f32 v10, v4;
	v10 =	vld [tilespmem:s16+$0xE9A0]  }
0x84: {  	v5 =	vadd.f32 v6, v5;
	v6 =	vld [tilespmem:s16+$0xACB0]  }
0x85: {  	v4 =	vadd.f32 v7, v4;
	v7 =	vld [tilespmem:s16+$0xEDB0]  }
0x86: {  	v5 =	vadd.f32 v8, v5;
	v8 =	vld [tilespmem:s16+$0xB0C0]  }
0x87: {  	v4 =	vadd.f32 v9, v4;
	v9 =	vld [tilespmem:s16+$0xF1C0]  }
0x88: {  	v5 =	vadd.f32 v10, v5;
	v10 =	vld [tilespmem:s16+$0xB4D0]  }
0x89: {  	v4 =	vadd.f32 v6, v4;
	v6 =	vld [tilespmem:s16+$0xF5D0]  }
0x8a: {  	v5 =	vadd.f32 v7, v5;
	v7 =	vld [tilespmem:s16+$0xB8E0]  }
0x8b: {  	v4 =	vadd.f32 v8, v4;
	v8 =	vld [tilespmem:s16+$0xF9E0]  }
0x8c: {  	v5 =	vadd.f32 v9, v5;
	v9 =	vld [tilespmem:s16+$0xBCF0]  }
0x8d: {  	v4 =	vadd.f32 v10, v4;
	v10 =	vld [tilespmem:s16+$0xFDF0]  }
0x8e: {  	v5 =	vadd.f32 v6, v5  }
0x8f: {  	v4 =	vadd.f32 v7, v4  }
0x90: {  	v5 =	vadd.f32 v8, v5  }
.Ltmp2:
0x91: {  	v4 =	vadd.f32 v9, v4;
	(pc) =	sbr.rel @p0 .LBB2_6-.Ltmp2, $4  }
0x92: {  	v5 =	vadd.f32 v10, v5  }
0x93: {  	[tilespmem:s16+$0x10200] =	vst v4  }
0x94: {  	s15 =	sadd.s32 $0x10, s15;
	s16 =	sshra.s32 s18, $0x2;
	[tilespmem:s17+$0x10600] =	vst v5  }
0x95: {  	s18 =	sadd.s32 $0x40, s18;
	s17 =	sand.u32 $0x3F0, s15;
	v4 =	vld [tilespmem:s16+$0x8000]  }
0x96: {  	v5 =	vld [tilespmem:s17+$0xC100]  }
0x97: {  	v6 =	vld [tilespmem:s16+$0x8410]  }
0x98: {  	v7 =	vld [tilespmem:s16+$0xC510]  }
0x99: {  	v8 =	vld [tilespmem:s16+$0x8820]  }
0x9a: {  	v9 =	vld [tilespmem:s16+$0xC920];
	v4 =	vadd.f32 $0.0e+00, v4  }
0x9b: {  	v10 =	vld [tilespmem:s16+$0x8C30];
	v5 =	vadd.f32 $0.0e+00, v5  }
0x9c: {  	v39 =	vld [tilespmem:s16+$0xCD30];
	v4 =	vadd.f32 v6, v4  }
0x9d: {  	v40 =	vld [tilespmem:s16+$0x9040];
	v5 =	vadd.f32 v7, v5  }
0x9e: {  	v41 =	vld [tilespmem:s16+$0xD140];
	v4 =	vadd.f32 v8, v4  }
0x9f: {  	v42 =	vld [tilespmem:s16+$0x9450];
	v5 =	vadd.f32 v9, v5  }
0xa0: {  	v43 =	vld [tilespmem:s16+$0xD550];
	v4 =	vadd.f32 v10, v4  }
0xa1: {  	v44 =	vld [tilespmem:s16+$0x9860];
	v5 =	vadd.f32 v39, v5  }
0xa2: {  	v45 =	vld [tilespmem:s16+$0xD960];
	v4 =	vadd.f32 v40, v4  }
0xa3: {  	v46 =	vld [tilespmem:s16+$0x9C70];
	v5 =	vadd.f32 v41, v5  }
0xa4: {  	v47 =	vld [tilespmem:s16+$0xDD70];
	v4 =	vadd.f32 v42, v4  }
0xa5: {  	v48 =	vld [tilespmem:s17+$0xA080];
	v5 =	vadd.f32 v43, v5  }
0xa6: {  	v49 =	vld [tilespmem:s17+$0xE180];
	v4 =	vadd.f32 v44, v4  }
0xa7: {  	v50 =	vld [tilespmem:s16+$0xA490];
	v5 =	vadd.f32 v45, v5  }
0xa8: {  	v51 =	vld [tilespmem:s16+$0xE590];
	v4 =	vadd.f32 v46, v4  }
0xa9: {  	v52 =	vld [tilespmem:s16+$0xA8A0];
	v5 =	vadd.f32 v47, v5  }
0xaa: {  	v53 =	vld [tilespmem:s16+$0xE9A0];
	v4 =	vadd.f32 v48, v4  }
0xab: {  	v54 =	vld [tilespmem:s16+$0xACB0];
	v5 =	vadd.f32 v49, v5  }
0xac: {  	v55 =	vld [tilespmem:s16+$0xEDB0];
	v4 =	vadd.f32 v50, v4  }
0xad: {  	v56 =	vld [tilespmem:s16+$0xB0C0];
	v5 =	vadd.f32 v51, v5  }
0xae: {  	v57 =	vld [tilespmem:s16+$0xF1C0];
	v4 =	vadd.f32 v52, v4  }
0xaf: {  	v58 =	vld [tilespmem:s16+$0xB4D0];
	v5 =	vadd.f32 v53, v5  }
0xb0: {  	v59 =	vld [tilespmem:s16+$0xF5D0];
	v4 =	vadd.f32 v54, v4  }
0xb1: {  	v60 =	vld [tilespmem:s16+$0xB8E0];
	v5 =	vadd.f32 v55, v5  }
0xb2: {  	v61 =	vld [tilespmem:s16+$0xF9E0];
	v4 =	vadd.f32 v56, v4  }
0xb3: {  	v62 =	vld [tilespmem:s16+$0xBCF0];
	v5 =	vadd.f32 v57, v5  }
0xb4: {  	v63 =	vld [tilespmem:s16+$0xFDF0];
	v4 =	vadd.f32 v58, v4  }
0xb5: {  	v5 =	vadd.f32 v59, v5  }
0xb6: {  	v4 =	vadd.f32 v60, v4  }
0xb7: {  	v5 =	vadd.f32 v61, v5  }
0xb8: {  	v4 =	vadd.f32 v62, v4  }
0xb9: {  	v5 =	vadd.f32 v63, v5  }
0xba: {  	[tilespmem:s16+$0x10200] =	vst v4  }
0xbb: {  	[tilespmem:s17+$0x10600] =	vst v5  }
0xbc: {  	[hbm4b:s4+s9] =	stream.strided.scatter [tilespmem:s11], [sflag:$0x2], $0x400, s10, s9, $0x38;
	[tilespmem:$0x10A00] =	vst v63  }
0xbd: {  	s14 =	sadd.s32 $0x1, s14;
	_ =	swait.ge [sflag:s12], $0x400  }
0xbe: {  	p0 =	sne.s32 s14, s6;
	[sflag:s12] =	ssyncset.done $0x0  }
.Ltmp3:
0xbf: {  	[sflag:s12] =	ssyncadd.s32 $0xFFFFFC00;
	(pc) =	sbr.rel @p0 .LBB2_1-.Ltmp3, $4  }
0xc0: {  	[hbm4b:s5+s9] =	stream.strided.scatter [tilespmem:s13], [sflag:$0x2], $0x400, s10, s9, $0x38;
	[tilespmem:$0x10A00] =	vst v63  }
0xc1: {  	_ =	swait.ge [sflag:s12], $0x400  }
0xc2: {  	[sflag:s12] =	ssyncset.done $0x0  }
0xc3: {  	[sflag:s12] =	ssyncadd.s32 $0xFFFFFC00  }
0xc4: {  	_ =	sfence.sel $0x180000  }
0xc5: {  	[bflag:$0x0] =	sbarrier.arrive $0xFFFF  }
0xc6: {  	p0 =	sne.s32 s1, $0x0;
	_ =	strace $0x9000004A  }
0xc7: {  	s0 =	sadd.s32 @!p0 $0x100000, s0;
	[bflag:$0x2] =	sbarrier.arrive $0xFFFF  }
0xc8: {  	[sflag:s0] =	ssyncadd.tile.s32 @!p0 $0x1;
	_ =	shalt  }
.Lfunc_end2:
_tile_overlayer_lowered:
.L_overlay_start_2:
0xc9: {  	(tag) =	ssettag $0x2  }
0xca: {  	s0 =	rddreg [dreg:$0x0];
	s2 =	stileid.u32  }
0xcb: {  	s1 =	rddreg [dreg:$0x1];
	p0 =	sne.s32 s2, $0x0  }
0xcc: {  	s3 =	rddreg [dreg:$0x2];
	[bflag:$0x3] =	sbarrier.arrive $0xFFFF;
	s2 =	simm.s32 @!p0 $0x1C02  }
0xcd: {  	[timem:s3], [sflag:s2] =	dma.local @!p0 [hbm:s0], s1  }
0xce: {  	s0 =	simm.s32 @!p0 $0x2  }
0xcf: {  	_ =	swait.ge @!p0 [sflag:s0], s1  }
0xd0: {  	s1 =	ssub.s32 @!p0 $0x0, s1;
	[sflag:s0] =	ssyncset.done @!p0 $0x0  }
0xd1: {  	[sflag:s0] =	ssyncadd.s32 @!p0 s1  }
0xd2: {  	[bflag:$0x3] =	sbarrier.arrive $0xFFFF  }
0xd3: {  	_ =	shalt  }

// kernel: kernel.9.cloned.1.call-start
scs
__scs_entry_jumppad:
0x0: {  	(pc) =	sbr.rel $0x88, $3  }
0x1: {  	(tag) =	ssettag $0x0;
	lr =	simm.s32 $0x1  }
0x2: {  	[smem:$0x3F9F] =	sst lr;
	_ =	strace $0xD0000000  }
0x3: {  	_ = 	snop  }
0x4: {  	_ = 	snop  }
0x5: {  	_ = 	snop  }
0x6: {  	_ = 	snop  }
0x7: {  	_ = 	snop  }
__scs_overlays_trampoline_lowered:
0x8: {  	[smem:$0x3FAE] =	sst s0  }
0x9: {  	[smem:$0x3FAF] =	sst s1  }
0xa: {  	[smem:$0x3FB0] =	sst s2  }
0xb: {  	[smem:$0x3FB1] =	sst s3  }
0xc: {  	[smem:$0x3FB2] =	sst s4  }
0xd: {  	[smem:$0x3FB3] =	sst s5  }
0xe: {  	[smem:$0x3FB4] =	sst s6  }
0xf: {  	[smem:$0x3FB5] =	sst s7  }
0x10: {  	[smem:$0x3FB6] =	sst s8  }
0x11: {  	[smem:$0x3FB7] =	sst s9;
	s0 =	simm.s32 @!p0 $0x0  }
0x12: {  	s1 =	sld [smem:$0x3F9D];
	s0 =	simm.s32 @p0 $0x1  }
0x13: {  	[smem:$0x3FB8] =	sst s0;
	s0 =	simm.s32 @!p1 $0x0  }
0x14: {  	s2 =	sld [smem:$0x3F9C];
	s0 =	simm.s32 @p1 $0x1  }
0x15: {  	[smem:$0x3FB9] =	sst s0;
	s0 =	simm.s32 @!p2 $0x0  }
0x16: {  	s3 =	sld [smem:$0x3FDB];
	s0 =	simm.s32 @p2 $0x1  }
0x17: {  	s4 =	simm.s32 $0x1BF5;
	[smem:$0x3FBB] =	sst s0  }
0x18: {  	s0 =	sld [smem:$0x3F9E];
	_ =	swait.ge [sflag:s4], $0x0  }
0x19: {  	s7 =	sld [smem:$0x3F9F]  }
0x1a: {  	s8 =	sadd.s32 $0xFFFFE003, lr  }
0x1b: {  	s9 =	sadd.s32 $0xFFFFFEF7, lr;
	s5 =	simm.s32 $0xFFFFFFFF;
	p2 =	slt.u32 s8, $0xFFFFF086  }
0x1c: {  	p1 =	slt.u32 s9, $0xF7A;
	s5 =	simm.s32 @!p2 $0x0  }
0x1d: {  	s5 =	simm.s32 @p1 $0x1;
	p0 =	seq.s32 s7, s2  }
0x1e: {  	s7 =	smul.u32 @!p0 $0xF7A, s2;
	p2 =	seq.s32 @!p0 s5, $0x0  }
0x1f: {  	s9 =	smul.u32 $0xF7A, s1;
	s8 =	simm.s32 @!p0 $0x1BF5;
	p2 =	por !p2, p0  }
0x20: {  	[sflag:s8] =	ssyncset.s32 @!p0 $0xFFFFF086;
	s6 =	sadd.s32 @!p0 s3, s7;
	s7 =	simm.s32 @!p0 $0x108  }
0x21: {  	s3 =	sadd.s32 s3, s9;
	s6 =	sadd.s32 @!p0 $0x88, s6;
	s7 =	simm.s32 @p2 $0x1082  }
0x22: {  	[simem:s7], [sflag:s8] =	dma.local @!p0 [hbm:s6], $0xF7A  }
0x23: {  	s9 =	sor.u32 $0xD0000000, s2;
	s6 =	simm.s32 $0x108;
	_ =	swait.ge @!p0 [sflag:s8], $0x0  }
0x24: {  	s3 =	sadd.s32 $0x88, s3;
	s6 =	simm.s32 @!p1 $0x1082;
	[sflag:s4] =	ssyncset.s32 $0xFFFFF086  }
0x25: {  	[simem:s6], [sflag:s4] =	dma.local [hbm:s3], $0xF7A  }
0x26: {  	[smem:$0x3F9F] =	sst s1;
	(tag) =	ssettag s2;
	_ =	strace s9  }
0x27: {  	s1 =	sld [smem:$0x3FAF]  }
0x28: {  	s2 =	sld [smem:$0x3FB0]  }
0x29: {  	s4 =	sld [smem:$0x3FB2]  }
0x2a: {  	p0 =	seq.s32 s5, $0x0;
	s5 =	sld [smem:$0x3FB3]  }
0x2b: {  	s6 =	sld [smem:$0x3FB4]  }
0x2c: {  	s7 =	sld [smem:$0x3FB5]  }
0x2d: {  	s3 =	simm.s32 $0x108;
	s8 =	sld [smem:$0x3FB6]  }
0x2e: {  	s3 =	simm.s32 @!p0 $0x1082;
	s9 =	sld [smem:$0x3FB7]  }
0x2f: {  	lr =	sadd.s32 s0, s3;
	s0 =	sld [smem:$0x3FAE]  }
0x30: {  	s3 =	sld [smem:$0x3FB1]  }
0x31: {  	[smem:$0x3FBA] =	sst s10  }
0x32: {  	s10 =	sld [smem:$0x3FB8];
	_ =	sdelay $0x3  }
0x33: {  	p0 =	seq.s32 s10, $0x1;
	s10 =	sld [smem:$0x3FBA];
	_ =	sdelay $0x3  }
0x34: {  	[smem:$0x3FBA] =	sst s10  }
0x35: {  	s10 =	sld [smem:$0x3FB9];
	_ =	sdelay $0x3  }
0x36: {  	p1 =	seq.s32 s10, $0x1;
	s10 =	sld [smem:$0x3FBA];
	_ =	sdelay $0x3  }
0x37: {  	[smem:$0x3FBA] =	sst s10  }
0x38: {  	s10 =	sld [smem:$0x3FBB]  }
0x39: {  	_ = 	snop;
	(pc) =	sbr.ind lr, $3  }
0x3a: {  	_ = 	snop  }
0x3b: {  	_ = 	snop  }
0x3c: {  	p2 =	seq.s32 s10, $0x1;
	s10 =	sld [smem:$0x3FBA]  }
0x3d: {  	_ =	shalt  }
0x3e: {  	_ =	shalt  }
0x3f: {  	_ =	shalt  }
0x40: {  	_ =	shalt  }
0x41: {  	_ =	shalt  }
0x42: {  	_ =	shalt  }
0x43: {  	_ =	shalt  }
0x44: {  	_ =	shalt  }
0x45: {  	_ =	shalt  }
0x46: {  	_ =	shalt  }
0x47: {  	_ =	shalt  }
0x48: {  	_ =	shalt  }
0x49: {  	_ =	shalt  }
0x4a: {  	_ =	shalt  }
0x4b: {  	_ =	shalt  }
0x4c: {  	_ =	shalt  }
0x4d: {  	_ =	shalt  }
0x4e: {  	_ =	shalt  }
0x4f: {  	_ =	shalt  }
0x50: {  	_ =	shalt  }
0x51: {  	_ =	shalt  }
0x52: {  	_ =	shalt  }
0x53: {  	_ =	shalt  }
0x54: {  	_ =	shalt  }
0x55: {  	_ =	shalt  }
0x56: {  	_ =	shalt  }
0x57: {  	_ =	shalt  }
0x58: {  	_ =	shalt  }
0x59: {  	_ =	shalt  }
0x5a: {  	_ =	shalt  }
0x5b: {  	_ =	shalt  }
0x5c: {  	_ =	shalt  }
0x5d: {  	_ =	shalt  }
0x5e: {  	_ =	shalt  }
0x5f: {  	_ =	shalt  }
0x60: {  	_ =	shalt  }
0x61: {  	_ =	shalt  }
0x62: {  	_ =	shalt  }
0x63: {  	_ =	shalt  }
0x64: {  	_ =	shalt  }
0x65: {  	_ =	shalt  }
0x66: {  	_ =	shalt  }
0x67: {  	_ =	shalt  }
0x68: {  	_ =	shalt  }
0x69: {  	_ =	shalt  }
0x6a: {  	_ =	shalt  }
0x6b: {  	_ =	shalt  }
0x6c: {  	_ =	shalt  }
0x6d: {  	_ =	shalt  }
0x6e: {  	_ =	shalt  }
0x6f: {  	_ =	shalt  }
0x70: {  	_ =	shalt  }
0x71: {  	_ =	shalt  }
0x72: {  	_ =	shalt  }
0x73: {  	_ =	shalt  }
0x74: {  	_ =	shalt  }
0x75: {  	_ =	shalt  }
0x76: {  	_ =	shalt  }
0x77: {  	_ =	shalt  }
0x78: {  	_ =	shalt  }
0x79: {  	_ =	shalt  }
0x7a: {  	_ =	shalt  }
0x7b: {  	_ =	shalt  }
0x7c: {  	_ =	shalt  }
0x7d: {  	_ =	shalt  }
0x7e: {  	_ =	shalt  }
0x7f: {  	_ =	shalt  }
0x80: {  	_ =	shalt  }
0x81: {  	_ =	shalt  }
0x82: {  	_ =	shalt  }
0x83: {  	_ =	shalt  }
0x84: {  	_ =	shalt  }
0x85: {  	_ =	shalt  }
0x86: {  	_ =	shalt  }
0x87: {  	_ =	shalt  }
.Lfunc_end0:
.L_simem_size_0:
called_computation.1_lowered:
.L_overlay_start_0:
0x88: {  	s2 =	sld [smem:$0x3FD9]  }
0x89: {  	s3 =	sld [smem:$0x3FFE];
	_ =	sdelay $0x1  }
0x8a: {  	s1 =	srdreg.scid  }
0x8b: {  	s0 =	sand.u32 $0x1, s1  }
0x8c: {  	s16 =	sshll.u32 s0, $0xA;
	s2 =	sadd.s32 s3, s2  }
0x8d: {  	s2 =	sadd.s32 s2, s16  }
0x8e: {  	[smem:$0x3FC6] =	sst s2  }
0x8f: {  	_ = 	snop  }
0x90: {  	(tm) =	ssettm $0x1  }
0x91: {  	s17 =	sld [smem:$0x3FFB];
	_ =	sdelay $0x3  }
0x92: {  	_ =	strace s17  }
0x93: {  	s2 =	sld [smem:$0x3FFC];
	_ =	sdelay $0x3  }
0x94: {  	_ =	strace s2  }
0x95: {  	s2 =	sld [smem:$0x3FFD];
	_ =	sdelay $0x3  }
0x96: {  	_ =	strace s2  }
0x97: {  	_ =	strace $0x8FFFFFFF  }
0x98: {  	s18 =	sld [smem:$0x3FDB];
	_ =	sdelay $0x1  }
0x99: {  	s19 =	simm.s32 $_scs_section_size  }
0x9a: {  	s4 =	simm.s32 $_size__tile_overlayer_lowered;
	s5 =	simm.s32 $_tile_overlayer_lowered  }
0x9b: {  	s22 =	simm.s32 $0x1BFF;
	s21 =	sshll.u32 s5, $0x1;
	s2 =	sadd.s32 s19, s18  }
0x9c: {  	s6 =	simm.s32 $0x0;
	s20 =	sshll.u32 s4, $0x1;
	s4 =	sadd.s32 s21, s2  }
0x9d: {  	[timem:s6], [sflag:s22] =	dma.local [hbm:s4], s20  }
0x9e: {  	_ =	swait.ge [sflag:s22], s20  }
0x9f: {  	s3 =	ssub.s32 $0x0, s20;
	[sflag:s22] =	ssyncset.done $0x0  }
0xa0: {  	[sflag:s22] =	ssyncadd.s32 s3;
	_ =	sdelay $0x1  }
0xa1: {  	s23 =	simm.s32 $0x1B8B  }
0xa2: {  	_ =	swait.ge [sflag:s23], $0x1  }
0xa3: {  	[sflag:s23] =	ssyncset.done $0x0  }
0xa4: {  	s25 =	simm.s32 $0x1B8E;
	s24 =	sld [smem:$0x3FFE];
	[sflag:s23] =	ssyncadd.s32 $0xFFFFFFFF  }
0xa5: {  	s26 =	simm.s32 $execute0_lowered;
	[smem:$0x3FD2] =	sst s25  }
0xa6: {  	s4 =	sshll.u32 s26, $0x1;
	_ =	strace $0x80000046;
	[dreg:$0x1] =	wrdreg $0xFFFFFFFF  }
0xa7: {  	s28 =	simm.s32 $_size_execute0_lowered;
	s2 =	sadd.s32 s2, s4;
	[dreg:$0x0] =	wrdreg $0x0  }
0xa8: {  	s4 =	sshll.u32 s28, $0x1;
	[dreg:$0x2] =	wrdreg s2  }
0xa9: {  	[dreg:$0x3] =	wrdreg s4  }
0xaa: {  	[dreg:$0x4] =	wrdreg $0xC0  }
0xab: {  	_ =	task [dreg:s6], $0x5FFFF  }
0xac: {  	[dreg:$0x1] =	wrdreg $0xFFFFFFFF  }
0xad: {  	[dreg:$0x0] =	wrdreg $0x60  }
0xae: {  	[dreg:$0x2] =	wrdreg s24  }
0xaf: {  	[dreg:$0x3] =	wrdreg $0xA  }
0xb0: {  	_ =	task.clear_ibuf [dreg:s6], $0x4FFFF;
	_ =	strace $0x90000046  }
0xb1: {  	s29 =	simm.s32 $0xA;
	_ =	strace $0x80000048  }
0xb2: {  	_ =	swait.ge [sflag:s29], $0x1  }
0xb3: {  	[sflag:s29] =	ssyncadd.s32 $0xFFFFFFFF  }
0xb4: {  	_ =	strace $0x90000048  }
0xb5: {  	_ =	sfence  }
0xb6: {  	s30 =	sld [smem:$0x0];
	_ =	sdelay $0x2  }
0xb7: {  	s31 =	sshll.u32 s1, $0xD;
	s1 =	sshrl.u32 s1, $0x2  }
0xb8: {  	s3 =	sand.u32 $0x4000, s31;
	s1 =	sadd.s32 s1, s30  }
0xb9: {  	s0 =	sor.u32 s3, s0;
	s1 =	sshll.u32 s1, $0x11  }
0xba: {  	s0 =	sor.u32 s1, s0  }
0xbb: {  	s0 =	sadd.s32 $0x8F2B, s0  }
0xbc: {  	[sflag:s0] =	ssyncadd.remote.s32 $0x1  }
0xbd: {  	_ =	sfence.sel $0xFFFF  }
0xbe: {  	[dreg:$0x0] =	wrdreg $0xFFFFFFFF;
	(pc) =	sbr.abs _section_cstart, $3  }
0xbf: {  	[dreg:$0x1] =	wrdreg $0xFFFFFFFF  }
0xc0: {  	_ =	task.clear_ibuf [dreg:s6], $0x2FFFF;
	_ =	strace $0x9FFFFFFF  }
0xc1: {  	(tm) =	ssettm $0x7FFFFFFF  }
tec
execute0_lowered:
.L_overlay_start_1:
0x0: {  	(tag) =	ssettag $0x1  }
0x1: {  	s3 =	rddreg [dreg:$0x0]  }
0x2: {  	s0 =	rddreg [dreg:$0x1]  }
0x3: {  	s4 =	srdreg.scid;
	s1 =	stileid.u32;
	s2 =	simm.s32 $0x0  }
0x4: {  	s9 =	simm.s32 $0x80;
	s10 =	simm.s32 $0x100;
	s11 =	simm.s32 $0x10200  }
0x5: {  	s12 =	simm.s32 $0x2;
	s13 =	simm.s32 $0x10600;
	s14 =	simm.s32 $0x0  }
0x6: {  	s4 =	sand.u32 $0x1, s4;
	s5 =	sshll.u32 s1, $0x1;
	[smem:$0x7FF] =	sst s2  }
0x7: {  	s7 =	sshll.u32 s1, $0xD;
	s5 =	sor.u32 s4, s5;
	_ =	strace $0x80000047  }
0x8: {  	s4 =	ssub.s32 $0x2, s4;
	s7 =	sand.u32 $0x18000, s7;
	s6 =	sshll.u32 s5, $0x8  }
0x9: {  	v0 =	vlaneseq.u32;
	s8 =	sshrl.u32 s4, $0x1;
	s5 =	sshll.u32 s5, $0xC;
	s6 =	sadd.s32 s6, s3  }
0xa: {  	v3 =	vmul.u32 $0x410, v0;
	s8 =	ssub.s32 s4, s8;
	s31 =	sand.u32 $0x7000, s5;
	s3 =	sadd.s32 s3, s7  }
0xb: {  	v2 =	vimm.f32 $1.000000000e+00;
	s7 =	simm.s32 $0x1;
	s3 =	sadd.s32 s31, s3;
	s4 =	sadd.s32 $0x20000, s6  }
0xc: {  	v0 =	vimm.f32 $0.0e+00;
	v1 =	vadd.s32 $0xFFFFF380, v3;
	v3 =	vadd.s32 $0x3480, v3;
	s5 =	sadd.s32 $0x20010, s6;
	s6 =	smax.u32 s8, $0x1;
	s8 =	simm.s32 $0x8000  }
.LBB2_1:
0xd: {  	[tilespmem:s2], [sflag:$0x1] =	stream.linear.gather [hbm4b:s3+s2], $0x8000, $0x38;
	[tilespmem:$0x10A00] =	vst v63  }
0xe: {  	s15 =	simm.s32 $0x8040  }
0xf: {  	[tilespmem:s15+$0xFFFFFFC0] =	vst v0  }
0x10: {  	[tilespmem:s15+$0x30] =	vst v0  }
0x11: {  	[tilespmem:s15+$0x20] =	vst v0  }
0x12: {  	[tilespmem:s15+$0x10] =	vst v0  }
0x13: {  	[tilespmem:s15+$0x0] =	vst v0  }
0x14: {  	[tilespmem:s15+$0xFFFFFFF0] =	vst v0  }
0x15: {  	s16 =	simm.s32 $0x0;
	[tilespmem:s15+$0xFFFFFFE0] =	vst v0  }
.LBB2_2:
0x16: {  	s16 =	sadd.s32 $0x8, s16;
	[tilespmem:s15+$0xFFFFFFD0] =	vst v0;
	s15 =	sadd.s32 $0x80, s15  }
0x17: {  	[tilespmem:s15+$0xFFFFFFC0] =	vst v0;
	p0 =	slt.u32 s16, $0x818  }
0x18: {  	[tilespmem:s15+$0x30] =	vst v0  }
.Ltmp0:
0x19: {  	[tilespmem:s15+$0x20] =	vst v0;
	(pc) =	sbr.rel @p0 .LBB2_2-.Ltmp0, $4  }
0x1a: {  	[tilespmem:s15+$0x10] =	vst v0  }
0x1b: {  	[tilespmem:s15+$0x0] =	vst v0  }
0x1c: {  	[tilespmem:s15+$0xFFFFFFF0] =	vst v0  }
0x1d: {  	[tilespmem:s15+$0xFFFFFFE0] =	vst v0  }
0x1e: {  	[tilespmem:s15+$0xFFFFFFD0] =	vst v0;
	s15 =	simm.s32 $0x0;
	s16 =	simm.s32 $0x0;
	s17 =	simm.s32 $0x0  }
0x1f: {  	_ =	swait.ge [sflag:s7], $0x8000;
	s16 =	sand.u32 $0x7000, s16;
	s18 =	sand.u32 $0xC00, s15  }
0x20: {  	s17 =	sand.u32 $0x380, s17;
	[sflag:s7] =	ssyncset.done $0x0;
	s16 =	sor.u32 s18, s16  }
0x21: {  	[sflag:s7] =	ssyncadd.s32 $0xFFFF8000;
	s18 =	sor.u32 s17, s16  }
0x22: {  	v4 =	vld [tilespmem:s18+$0x10];
	_ =	sdelay $0x2  }
0x23: {  	v7 =	vld [tilespmem:s18+$0x30];
	_ =	sdelay $0x1  }
0x24: {  	v5 =	vshrl.u32 v4, $0x12  }
0x25: {  	v5 =	vmax.u32 v5, $0xC80  }
0x26: {  	v8 =	vld [tilespmem:s18+$0x40];
	v5 =	vmin.u32 v5, $0x107F  }
0x27: {  	s31 =	simm.s32 $0x80;
	s16 =	simm.s32 $0x400;
	v11 =	vld [tilespmem:s18+$0x60];
	v9 =	vshrl.u32 v7, $0x12;
	v6 =	vadd.s32 v1, v5  }
0x28: {  	s19 =	simm.s32 $0x20;
	s17 =	sand.u32 $0x7000, s31;
	v12 =	vld [tilespmem:s18+$0x20];
	s20 =	sand.u32 $0xC00, s16;
	v9 =	vmax.u32 v9, $0xC80;
	v5 =	vadd.s32 v3, v5  }
0x29: {  	s19 =	sand.u32 $0x380, s19;
	v14 =	vld [tilespmem:s18+$0x50];
	s17 =	sor.u32 s20, s17;
	v9 =	vmin.u32 v9, $0x107F  }
0x2a: {  	v17 =	vld [tilespmem:s18+$0x70];
	s17 =	sor.u32 s19, s17;
	v13 =	vadd.s32 v1, v9  }
0x2b: {  	v10 =	vshrl.u32 v8, $0x12;
	v15 =	vadd.s32 v3, v9;
	v9 =	vld [tilespmem:s17+$0x10]  }
0x2c: {  	[tilespmem:v6+s8+$0x0] =	vst.idx.add.f32.msk $0xffff, v2;
	v6 =	vmax.u32 v10, $0xC80  }
0x2d: {  	[tilespmem:v5+s8+$0x0] =	vst.idx.add.f32.msk $0xffff, v4;
	v4 =	vmin.u32 v6, $0x107F  }
0x2e: {  	v10 =	vld [tilespmem:s18+$0x0];
	v6 =	vshrl.u32 v12, $0x12;
	v16 =	vadd.s32 v1, v4  }
0x2f: {  	[tilespmem:v13+s8+$0x0] =	vst.idx.add.f32.msk $0xffff, v2;
	v13 =	vadd.s32 v3, v4;
	v4 =	vmax.u32 v6, $0xC80  }
0x30: {  	v18 =	vshrl.u32 v14, $0x12;
	v5 =	vld [tilespmem:s17+$0x30];
	v4 =	vmin.u32 v4, $0x107F  }
0x31: {  	[tilespmem:v15+s8+$0x0] =	vst.idx.add.f32.msk $0xffff, v7;
	v15 =	vmax.u32 v18, $0xC80;
	v19 =	vadd.s32 v1, v4  }
0x32: {  	v7 =	vshrl.u32 v11, $0x12;
	v6 =	vld [tilespmem:s17+$0x40];
	v15 =	vmin.u32 v15, $0x107F  }
0x33: {  	v18 =	vshrl.u32 v17, $0x12;
	v7 =	vmax.u32 v7, $0xC80;
	v20 =	vadd.s32 v1, v15;
	[tilespmem:v16+s8+$0x0] =	vst.idx.add.f32.msk $0xffff, v2  }
0x34: {  	v15 =	vadd.s32 v3, v15;
	v16 =	vmax.u32 v18, $0xC80;
	v18 =	vadd.s32 v3, v4;
	v4 =	vld [tilespmem:s17+$0x60]  }
0x35: {  	[tilespmem:v13+s8+$0x0] =	vst.idx.add.f32.msk $0xffff, v8;
	v13 =	vmin.u32 v7, $0x107F  }
0x36: {  	[tilespmem:v19+s8+$0x0] =	vst.idx.add.f32.msk $0xffff, v2;
	v19 =	vadd.s32 v1, v13  }
0x37: {  	v7 =	vshrl.u32 v10, $0x12;
	v8 =	vld [tilespmem:s17+$0x20];
	v13 =	vadd.s32 v3, v13  }
0x38: {  	v16 =	vmin.u32 v16, $0x107F;
	[tilespmem:v20+s8+$0x0] =	vst.idx.add.f32.msk $0xffff, v2;
	v7 =	vmax.u32 v7, $0xC80  }
0x39: {  	v21 =	vadd.s32 v1, v16;
	[tilespmem:v15+s8+$0x0] =	vst.idx.add.f32.msk $0xffff, v14;
	v22 =	vmin.u32 v7, $0x107F  }
0x3a: {  	v23 =	vadd.s32 v1, v22;
	[tilespmem:v18+s8+$0x0] =	vst.idx.add.f32.msk $0xffff, v12  }
0x3b: {  	v63 =	vshrl.u32 v9, $0x12;
	v18 =	vadd.s32 v3, v16;
	[tilespmem:v19+s8+$0x0] =	vst.idx.add.f32.msk $0xffff, v2;
	v19 =	vshrl.u32 v4, $0x12  }
0x3c: {  	v12 =	vadd.s32 v3, v22;
	[tilespmem:v13+s8+$0x0] =	vst.idx.add.f32.msk $0xffff, v11;
	v11 =	vmax.u32 v19, $0xC80;
	v19 =	vmax.u32 v63, $0xC80  }
0x3d: {  	v7 =	vld [tilespmem:s17+$0x50];
	v19 =	vmin.u32 v19, $0x107F  }
0x3e: {  	[tilespmem:v21+s8+$0x0] =	vst.idx.add.f32.msk $0xffff, v2;
	v15 =	vadd.s32 v1, v19  }
0x3f: {  	v16 =	vshrl.u32 v5, $0x12;
	[tilespmem:v23+s8+$0x0] =	vst.idx.add.f32.msk $0xffff, v2;
	v14 =	vadd.s32 v3, v19  }
0x40: {  	s18 =	simm.s32 $0x8;
	v16 =	vmax.u32 v16, $0xC80;
	v13 =	vshrl.u32 v6, $0x12;
	v11 =	vmin.u32 v11, $0x107F;
	[tilespmem:v18+s8+$0x0] =	vst.idx.add.f32.msk $0xffff, v17  }
.LBB2_4:
0x41: {  	s18 =	sadd.s32 $0x8, s18;
	v16 =	vmin.u32 v16, $0x107F;
	s16 =	sadd.s32 $0x400, s16;
	[tilespmem:v12+s8+$0x0] =	vst.idx.add.f32.msk $0xffff, v10  }
0x42: {  	v10 =	vmax.u32 v13, $0xC80;
	s19 =	sshll.u32 s18, $0x4;
	s20 =	sshll.u32 s18, $0x2;
	p0 =	slt.u32 s18, $0x7F8;
	v12 =	vadd.s32 v1, v16;
	v17 =	vld [tilespmem:s17+$0x70]  }
0x43: {  	s21 =	sand.u32 $0xC00, s16;
	v13 =	vmin.u32 v10, $0x107F;
	v10 =	vshrl.u32 v7, $0x12;
	s19 =	sand.u32 $0x7000, s19;
	[tilespmem:v15+s8+$0x0] =	vst.idx.add.f32.msk $0xffff, v2  }
0x44: {  	s20 =	sand.u32 $0x380, s20;
	s19 =	sor.u32 s21, s19;
	[tilespmem:v14+s8+$0x0] =	vst.idx.add.f32.msk $0xffff, v9;
	v9 =	vshrl.u32 v8, $0x12;
	v14 =	vmax.u32 v10, $0xC80  }
0x45: {  	v15 =	vadd.s32 v3, v16;
	v10 =	vld [tilespmem:s17+$0x0];
	s17 =	sor.u32 s20, s19;
	v14 =	vmin.u32 v14, $0x107F  }
0x46: {  	v18 =	vadd.s32 v1, v13;
	v13 =	vadd.s32 v3, v13;
	v16 =	vld [tilespmem:s17+$0x30]  }
0x47: {  	v19 =	vmax.u32 v9, $0xC80;
	[tilespmem:v12+s8+$0x0] =	vst.idx.add.f32.msk $0xffff, v2;
	v12 =	vshrl.u32 v17, $0x12  }
0x48: {  	v19 =	vmin.u32 v19, $0x107F;
	v9 =	vld [tilespmem:s17+$0x10];
	v12 =	vmax.u32 v12, $0xC80  }
0x49: {  	v21 =	vadd.s32 v1, v14;
	v20 =	vld [tilespmem:s17+$0x40];
	v22 =	vmin.u32 v12, $0x107F  }
0x4a: {  	v24 =	vadd.s32 v3, v14;
	v23 =	vadd.s32 v1, v19;
	v12 =	vshrl.u32 v10, $0x12;
	[tilespmem:v15+s8+$0x0] =	vst.idx.add.f32.msk $0xffff, v5  }
0x4b: {  	v14 =	vadd.s32 v3, v19;
	v25 =	vshrl.u32 v16, $0x12;
	v12 =	vmax.u32 v12, $0xC80;
	[tilespmem:v18+s8+$0x0] =	vst.idx.add.f32.msk $0xffff, v2;
	v5 =	vmovc v16  }
0x4c: {  	v16 =	vadd.s32 v1, v22;
	v15 =	vld [tilespmem:s17+$0x60];
	v12 =	vmin.u32 v12, $0x107F  }
0x4d: {  	v18 =	vadd.s32 v1, v12;
	[tilespmem:v13+s8+$0x0] =	vst.idx.add.f32.msk $0xffff, v6  }
0x4e: {  	v12 =	vadd.s32 v3, v12;
	v19 =	vld [tilespmem:s17+$0x20];
	v6 =	vmov v20  }
0x4f: {  	v20 =	vadd.s32 v1, v11;
	[tilespmem:v23+s8+$0x0] =	vst.idx.add.f32.msk $0xffff, v2  }
0x50: {  	v26 =	vadd.s32 v3, v11;
	v23 =	vld [tilespmem:s17+$0x50]  }
0x51: {  	v22 =	vadd.s32 v3, v22;
	v11 =	vshrl.u32 v15, $0x12;
	[tilespmem:v14+s8+$0x0] =	vst.idx.add.f32.msk $0xffff, v8  }
0x52: {  	v13 =	vshrl.u32 v6, $0x12;
	v27 =	vmax.u32 v11, $0xC80;
	[tilespmem:v21+s8+$0x0] =	vst.idx.add.f32.msk $0xffff, v2  }
0x53: {  	v14 =	vshrl.u32 v9, $0x12;
	v11 =	vmin.u32 v27, $0x107F;
	[tilespmem:v16+s8+$0x0] =	vst.idx.add.f32.msk $0xffff, v2;
	v8 =	vmov v19  }
.Ltmp1:
0x54: {  	v14 =	vmax.u32 v14, $0xC80;
	[tilespmem:v20+s8+$0x0] =	vst.idx.add.f32.msk $0xffff, v2;
	(pc) =	sbr.rel @p0 .LBB2_4-.Ltmp1, $4  }
0x55: {  	v14 =	vmin.u32 v14, $0x107F;
	[tilespmem:v26+s8+$0x0] =	vst.idx.add.f32.msk $0xffff, v4;
	v4 =	vmov v15  }
0x56: {  	v15 =	vadd.s32 v1, v14;
	[tilespmem:v18+s8+$0x0] =	vst.idx.add.f32.msk $0xffff, v2  }
0x57: {  	v14 =	vadd.s32 v3, v14;
	[tilespmem:v24+s8+$0x0] =	vst.idx.add.f32.msk $0xffff, v7;
	v7 =	vmov v23  }
0x58: {  	v16 =	vmax.u32 v25, $0xC80;
	[tilespmem:v22+s8+$0x0] =	vst.idx.add.f32.msk $0xffff, v17  }
0x59: {  	_ =	sdelay $0x1  }
0x5a: {  	v16 =	vmin.u32 v16, $0x107F  }
0x5b: {  	v17 =	vld [tilespmem:s17+$0x70];
	v13 =	vmax.u32 v13, $0xC80;
	v18 =	vadd.s32 v1, v16  }
0x5c: {  	[tilespmem:v12+s8+$0x0] =	vst.idx.add.f32.msk $0xffff, v10;
	v51 =	vshrl.u32 v8, $0x12;
	v50 =	vmin.u32 v13, $0x107F;
	v52 =	vadd.s32 v3, v16  }
0x5d: {  	v53 =	vld [tilespmem:s17+$0x0];
	v54 =	vshrl.u32 v7, $0x12;
	v12 =	vmax.u32 v51, $0xC80;
	v19 =	vadd.s32 v1, v50  }
0x5e: {  	[tilespmem:v15+s8+$0x0] =	vst.idx.add.f32.msk $0xffff, v2;
	v55 =	vmax.u32 v54, $0xC80;
	v10 =	vadd.s32 v3, v50;
	v12 =	vmin.u32 v12, $0x107F  }
0x5f: {  	[tilespmem:v14+s8+$0x0] =	vst.idx.add.f32.msk $0xffff, v9;
	v9 =	vmin.u32 v55, $0x107F;
	v57 =	vadd.s32 v1, v12  }
0x60: {  	v58 =	vadd.s32 v1, v9;
	v56 =	vshrl.u32 v17, $0x12;
	[tilespmem:v18+s8+$0x0] =	vst.idx.add.f32.msk $0xffff, v2  }
0x61: {  	v12 =	vadd.s32 v3, v12;
	v14 =	vmax.u32 v56, $0xC80;
	[tilespmem:v52+s8+$0x0] =	vst.idx.add.f32.msk $0xffff, v5  }
0x62: {  	v62 =	vadd.s32 v3, v9;
	v14 =	vmin.u32 v14, $0x107F;
	[tilespmem:v19+s8+$0x0] =	vst.idx.add.f32.msk $0xffff, v2  }
0x63: {  	v59 =	vadd.s32 v1, v14;
	[tilespmem:v10+s8+$0x0] =	vst.idx.add.f32.msk $0xffff, v6  }
0x64: {  	v5 =	vshrl.u32 v53, $0x12;
	v6 =	vadd.s32 v1, v11;
	[tilespmem:v57+s8+$0x0] =	vst.idx.add.f32.msk $0xffff, v2  }
0x65: {  	v60 =	vadd.s32 v3, v11;
	v5 =	vmax.u32 v5, $0xC80;
	[tilespmem:v58+s8+$0x0] =	vst.idx.add.f32.msk $0xffff, v2  }
0x66: {  	v63 =	vadd.s32 v3, v14;
	v5 =	vmin.u32 v5, $0x107F;
	[tilespmem:v12+s8+$0x0] =	vst.idx.add.f32.msk $0xffff, v8  }
0x67: {  	[tilespmem:v62+s8+$0x0] =	vst.idx.add.f32.msk $0xffff, v7;
	v61 =	vadd.s32 v1, v5  }
0x68: {  	v5 =	vadd.s32 v3, v5;
	[tilespmem:v59+s8+$0x0] =	vst.idx.add.f32.msk $0xffff, v2  }
0x69: {  	[tilespmem:v6+s8+$0x0] =	vst.idx.add.f32.msk $0xffff, v2  }
0x6a: {  	[tilespmem:v60+s8+$0x0] =	vst.idx.add.f32.msk $0xffff, v4  }
0x6b: {  	[tilespmem:v63+s8+$0x0] =	vst.idx.add.f32.msk $0xffff, v17  }
0x6c: {  	[tilespmem:v61+s8+$0x0] =	vst.idx.add.f32.msk $0xffff, v2  }
0x6d: {  	s16 =	simm.s32 $0x0;
	[tilespmem:v5+s8+$0x0] =	vst.idx.add.f32.msk $0xffff, v53  }
0x6e: {  	s17 =	sand.u32 $0x3F0, s15;
	s18 =	simm.s32 $0x40;
	v4 =	vld [tilespmem:s16+$0x8000]  }
.LBB2_6:
0x6f: {  	p0 =	sne.s32 s18, $0xFC0;
	v5 =	vld [tilespmem:s17+$0xC100]  }
0x70: {  	v6 =	vld [tilespmem:s16+$0x8410]  }
0x71: {  	v7 =	vld [tilespmem:s16+$0xC510]  }
0x72: {  	v8 =	vld [tilespmem:s16+$0x8820]  }
0x73: {  	v4 =	vadd.f32 $0.0e+00, v4;
	v9 =	vld [tilespmem:s16+$0xC920]  }
0x74: {  	v5 =	vadd.f32 $0.0e+00, v5;
	v10 =	vld [tilespmem:s16+$0x8C30]  }
0x75: {  	v4 =	vadd.f32 v6, v4;
	v6 =	vld [tilespmem:s16+$0xCD30]  }
0x76: {  	v5 =	vadd.f32 v7, v5;
	v7 =	vld [tilespmem:s16+$0x9040]  }
0x77: {  	v4 =	vadd.f32 v8, v4;
	v8 =	vld [tilespmem:s16+$0xD140]  }
0x78: {  	v5 =	vadd.f32 v9, v5;
	v9 =	vld [tilespmem:s16+$0x9450]  }
0x79: {  	v4 =	vadd.f32 v10, v4;
	v10 =	vld [tilespmem:s16+$0xD550]  }
0x7a: {  	v5 =	vadd.f32 v6, v5;
	v6 =	vld [tilespmem:s16+$0x9860]  }
0x7b: {  	v4 =	vadd.f32 v7, v4;
	v7 =	vld [tilespmem:s16+$0xD960]  }
0x7c: {  	v5 =	vadd.f32 v8, v5;
	v8 =	vld [tilespmem:s16+$0x9C70]  }
0x7d: {  	v4 =	vadd.f32 v9, v4;
	v9 =	vld [tilespmem:s16+$0xDD70]  }
0x7e: {  	v5 =	vadd.f32 v10, v5;
	v10 =	vld [tilespmem:s17+$0xA080]  }
0x7f: {  	v4 =	vadd.f32 v6, v4;
	v6 =	vld [tilespmem:s17+$0xE180]  }
0x80: {  	v5 =	vadd.f32 v7, v5;
	v7 =	vld [tilespmem:s16+$0xA490]  }
0x81: {  	v4 =	vadd.f32 v8, v4;
	v8 =	vld [tilespmem:s16+$0xE590]  }
0x82: {  	v5 =	vadd.f32 v9, v5;
	v9 =	vld [tilespmem:s16+$0xA8A0]  }
0x83: {  	v4 =	vadd.f32 v10, v4;
	v10 =	vld [tilespmem:s16+$0xE9A0]  }
0x84: {  	v5 =	vadd.f32 v6, v5;
	v6 =	vld [tilespmem:s16+$0xACB0]  }
0x85: {  	v4 =	vadd.f32 v7, v4;
	v7 =	vld [tilespmem:s16+$0xEDB0]  }
0x86: {  	v5 =	vadd.f32 v8, v5;
	v8 =	vld [tilespmem:s16+$0xB0C0]  }
0x87: {  	v4 =	vadd.f32 v9, v4;
	v9 =	vld [tilespmem:s16+$0xF1C0]  }
0x88: {  	v5 =	vadd.f32 v10, v5;
	v10 =	vld [tilespmem:s16+$0xB4D0]  }
0x89: {  	v4 =	vadd.f32 v6, v4;
	v6 =	vld [tilespmem:s16+$0xF5D0]  }
0x8a: {  	v5 =	vadd.f32 v7, v5;
	v7 =	vld [tilespmem:s16+$0xB8E0]  }
0x8b: {  	v4 =	vadd.f32 v8, v4;
	v8 =	vld [tilespmem:s16+$0xF9E0]  }
0x8c: {  	v5 =	vadd.f32 v9, v5;
	v9 =	vld [tilespmem:s16+$0xBCF0]  }
0x8d: {  	v4 =	vadd.f32 v10, v4;
	v10 =	vld [tilespmem:s16+$0xFDF0]  }
0x8e: {  	v5 =	vadd.f32 v6, v5  }
0x8f: {  	v4 =	vadd.f32 v7, v4  }
0x90: {  	v5 =	vadd.f32 v8, v5  }
.Ltmp2:
0x91: {  	v4 =	vadd.f32 v9, v4;
	(pc) =	sbr.rel @p0 .LBB2_6-.Ltmp2, $4  }
0x92: {  	v5 =	vadd.f32 v10, v5  }
0x93: {  	[tilespmem:s16+$0x10200] =	vst v4  }
0x94: {  	s15 =	sadd.s32 $0x10, s15;
	s16 =	sshra.s32 s18, $0x2;
	[tilespmem:s17+$0x10600] =	vst v5  }
0x95: {  	s18 =	sadd.s32 $0x40, s18;
	s17 =	sand.u32 $0x3F0, s15;
	v4 =	vld [tilespmem:s16+$0x8000]  }
0x96: {  	v5 =	vld [tilespmem:s17+$0xC100]  }
0x97: {  	v6 =	vld [tilespmem:s16+$0x8410]  }
0x98: {  	v7 =	vld [tilespmem:s16+$0xC510]  }
0x99: {  	v8 =	vld [tilespmem:s16+$0x8820]  }
0x9a: {  	v9 =	vld [tilespmem:s16+$0xC920];
	v4 =	vadd.f32 $0.0e+00, v4  }
0x9b: {  	v10 =	vld [tilespmem:s16+$0x8C30];
	v5 =	vadd.f32 $0.0e+00, v5  }
0x9c: {  	v39 =	vld [tilespmem:s16+$0xCD30];
	v4 =	vadd.f32 v6, v4  }
0x9d: {  	v40 =	vld [tilespmem:s16+$0x9040];
	v5 =	vadd.f32 v7, v5  }
0x9e: {  	v41 =	vld [tilespmem:s16+$0xD140];
	v4 =	vadd.f32 v8, v4  }
0x9f: {  	v42 =	vld [tilespmem:s16+$0x9450];
	v5 =	vadd.f32 v9, v5  }
0xa0: {  	v43 =	vld [tilespmem:s16+$0xD550];
	v4 =	vadd.f32 v10, v4  }
0xa1: {  	v44 =	vld [tilespmem:s16+$0x9860];
	v5 =	vadd.f32 v39, v5  }
0xa2: {  	v45 =	vld [tilespmem:s16+$0xD960];
	v4 =	vadd.f32 v40, v4  }
0xa3: {  	v46 =	vld [tilespmem:s16+$0x9C70];
	v5 =	vadd.f32 v41, v5  }
0xa4: {  	v47 =	vld [tilespmem:s16+$0xDD70];
	v4 =	vadd.f32 v42, v4  }
0xa5: {  	v48 =	vld [tilespmem:s17+$0xA080];
	v5 =	vadd.f32 v43, v5  }
0xa6: {  	v49 =	vld [tilespmem:s17+$0xE180];
	v4 =	vadd.f32 v44, v4  }
0xa7: {  	v50 =	vld [tilespmem:s16+$0xA490];
	v5 =	vadd.f32 v45, v5  }
0xa8: {  	v51 =	vld [tilespmem:s16+$0xE590];
	v4 =	vadd.f32 v46, v4  }
0xa9: {  	v52 =	vld [tilespmem:s16+$0xA8A0];
	v5 =	vadd.f32 v47, v5  }
0xaa: {  	v53 =	vld [tilespmem:s16+$0xE9A0];
	v4 =	vadd.f32 v48, v4  }
0xab: {  	v54 =	vld [tilespmem:s16+$0xACB0];
	v5 =	vadd.f32 v49, v5  }
0xac: {  	v55 =	vld [tilespmem:s16+$0xEDB0];
	v4 =	vadd.f32 v50, v4  }
0xad: {  	v56 =	vld [tilespmem:s16+$0xB0C0];
	v5 =	vadd.f32 v51, v5  }
0xae: {  	v57 =	vld [tilespmem:s16+$0xF1C0];
	v4 =	vadd.f32 v52, v4  }
0xaf: {  	v58 =	vld [tilespmem:s16+$0xB4D0];
	v5 =	vadd.f32 v53, v5  }
0xb0: {  	v59 =	vld [tilespmem:s16+$0xF5D0];
	v4 =	vadd.f32 v54, v4  }
0xb1: {  	v60 =	vld [tilespmem:s16+$0xB8E0];
	v5 =	vadd.f32 v55, v5  }
0xb2: {  	v61 =	vld [tilespmem:s16+$0xF9E0];
	v4 =	vadd.f32 v56, v4  }
0xb3: {  	v62 =	vld [tilespmem:s16+$0xBCF0];
	v5 =	vadd.f32 v57, v5  }
0xb4: {  	v63 =	vld [tilespmem:s16+$0xFDF0];
	v4 =	vadd.f32 v58, v4  }
0xb5: {  	v5 =	vadd.f32 v59, v5  }
0xb6: {  	v4 =	vadd.f32 v60, v4  }
0xb7: {  	v5 =	vadd.f32 v61, v5  }
0xb8: {  	v4 =	vadd.f32 v62, v4  }
0xb9: {  	v5 =	vadd.f32 v63, v5  }
0xba: {  	[tilespmem:s16+$0x10200] =	vst v4  }
0xbb: {  	[tilespmem:s17+$0x10600] =	vst v5  }
0xbc: {  	[hbm4b:s4+s9] =	stream.strided.scatter [tilespmem:s11], [sflag:$0x2], $0x400, s10, s9, $0x38;
	[tilespmem:$0x10A00] =	vst v63  }
0xbd: {  	s14 =	sadd.s32 $0x1, s14;
	_ =	swait.ge [sflag:s12], $0x400  }
0xbe: {  	p0 =	sne.s32 s14, s6;
	[sflag:s12] =	ssyncset.done $0x0  }
.Ltmp3:
0xbf: {  	[sflag:s12] =	ssyncadd.s32 $0xFFFFFC00;
	(pc) =	sbr.rel @p0 .LBB2_1-.Ltmp3, $4  }
0xc0: {  	[hbm4b:s5+s9] =	stream.strided.scatter [tilespmem:s13], [sflag:$0x2], $0x400, s10, s9, $0x38;
	[tilespmem:$0x10A00] =	vst v63  }
0xc1: {  	_ =	swait.ge [sflag:s12], $0x400  }
0xc2: {  	[sflag:s12] =	ssyncset.done $0x0  }
0xc3: {  	[sflag:s12] =	ssyncadd.s32 $0xFFFFFC00  }
0xc4: {  	_ =	sfence.sel $0x180000  }
0xc5: {  	[bflag:$0x0] =	sbarrier.arrive $0xFFFF  }
0xc6: {  	p0 =	sne.s32 s1, $0x0;
	_ =	strace $0x90000047  }
0xc7: {  	s0 =	sadd.s32 @!p0 $0x100000, s0;
	[bflag:$0x2] =	sbarrier.arrive $0xFFFF  }
0xc8: {  	[sflag:s0] =	ssyncadd.tile.s32 @!p0 $0x1;
	_ =	shalt  }
.Lfunc_end2:
_tile_overlayer_lowered:
.L_overlay_start_2:
0xc9: {  	(tag) =	ssettag $0x2  }
0xca: {  	s0 =	rddreg [dreg:$0x0];
	s2 =	stileid.u32  }
0xcb: {  	s1 =	rddreg [dreg:$0x1];
	p0 =	sne.s32 s2, $0x0  }
0xcc: {  	s3 =	rddreg [dreg:$0x2];
	[bflag:$0x3] =	sbarrier.arrive $0xFFFF;
	s2 =	simm.s32 @!p0 $0x1C02  }
0xcd: {  	[timem:s3], [sflag:s2] =	dma.local @!p0 [hbm:s0], s1  }
0xce: {  	s0 =	simm.s32 @!p0 $0x2  }
0xcf: {  	_ =	swait.ge @!p0 [sflag:s0], s1  }
0xd0: {  	s1 =	ssub.s32 @!p0 $0x0, s1;
	[sflag:s0] =	ssyncset.done @!p0 $0x0  }
0xd1: {  	[sflag:s0] =	ssyncadd.s32 @!p0 s1  }
0xd2: {  	[bflag:$0x3] =	sbarrier.arrive $0xFFFF  }
0xd3: {  	_ =	shalt  }

</sc_bundles>
